<compile_context>
chip_gen: v7x
topology: tpu7x:2x2x1
jax: 0.10.2.dev20260603
libtpu: 0.0.44.dev20260713+nightly
codegen_flags: <defaults>
</compile_context>

<pallas_src>
import functools

import jax
import jax.numpy as jnp
from jax import lax
from jax.experimental import pallas as pl
from jax.experimental.pallas import tpu as pltpu
from jax.experimental.pallas import tpu_sc as plsc

_VOCAB = 1000000
_DIM = 64
_BATCH = 4096
_HIST = 50

_B = _BATCH * _HIST
_NC = 2
_NS = 16
_NW = _NC * _NS
_BPW = _B // _NW
_CHUNK = 128
_NCH = _BPW // _CHUNK
_K = 5
_GROUP = _K * _CHUNK
_NG = _NCH // _K

_mesh = plsc.VectorSubcoreMesh(core_axis_name="c", subcore_axis_name="s")


@functools.partial(
    pl.kernel,
    out_type=jax.ShapeDtypeStruct((_B, _DIM), jnp.float32),
    mesh=_mesh,
    scratch_types=[
        pltpu.VMEM((_NCH, _CHUNK), jnp.int32),
        pltpu.VMEM((_GROUP, _DIM), jnp.float32),
        pltpu.VMEM((_GROUP, _DIM), jnp.float32),
        pltpu.SemaphoreType.DMA,
        pltpu.SemaphoreType.DMA,
        pltpu.SemaphoreType.DMA,
        pltpu.SemaphoreType.DMA,
    ],
    compiler_params=pltpu.CompilerParams(use_tc_tiling_on_sc=False),
)
def _sc_gather(idx_hbm, table_hbm, out_hbm, idx_v, rows_a, rows_b,
               gsem_a, gsem_b, osem_a, osem_b):
    wid = lax.axis_index("s") * _NC + lax.axis_index("c")
    base = wid * _BPW
    pltpu.sync_copy(idx_hbm.at[wid], idx_v)

    def fire_gathers(g, rows, sem):
        for b in range(_K):
            pltpu.async_copy(table_hbm.at[idx_v.at[g * _K + b]],
                             rows.at[pl.ds(b * _CHUNK, _CHUNK)], sem)

    def drain(rows, sem):
        pltpu.make_async_copy(out_hbm.at[pl.ds(0, _GROUP)], rows, sem).wait()

    def fire_out(g, rows, sem):
        pltpu.async_copy(rows, out_hbm.at[pl.ds(base + g * _GROUP, _GROUP)],
                         sem)

    def drain_out(rows, sem):
        pltpu.make_async_copy(rows, out_hbm.at[pl.ds(0, _GROUP)], sem).wait()

    fire_gathers(0, rows_a, gsem_a)
    fire_gathers(1, rows_b, gsem_b)
    drain(rows_a, gsem_a)
    fire_out(0, rows_a, osem_a)

    def body(i, carry):
        g = 1 + 2 * i
        drain(rows_b, gsem_b)
        fire_out(g, rows_b, osem_b)
        drain_out(rows_a, osem_a)
        fire_gathers(g + 1, rows_a, gsem_a)
        drain(rows_a, gsem_a)
        fire_out(g + 1, rows_a, osem_a)
        drain_out(rows_b, osem_b)
        fire_gathers(g + 2, rows_b, gsem_b)
        return carry

    lax.fori_loop(0, _NG // 2 - 1, body, 0)

    drain(rows_b, gsem_b)
    fire_out(_NG - 1, rows_b, osem_b)
    drain_out(rows_a, osem_a)
    drain_out(rows_b, osem_b)


def kernel(inputs, embeddings):
    idx = inputs.astype(jnp.int32).reshape(_NW, _NCH, _CHUNK)
    out = _sc_gather(idx, embeddings)
    return out.reshape(_BATCH, _HIST, _DIM)

# --- scband reference (transcript-rebuilt; emitter-appended) ---
"""Pipeline reference for scband-simple-embedding-46033459478617 (READ-ONLY COPY).

The authoritative reference and input builder live on the scoring server;
editing this copy changes nothing except your own understanding.
"""

import jax, jax.numpy as jnp
import numpy as np

VOCAB = 1000000
DIM = 64
BATCH = 4096
HIST = 50

def setup_inputs(seed: int = 0) -> dict:
    key = jax.random.key(seed)
    k_idx, k_emb = jax.random.split(key)
    inputs = jax.random.randint(k_idx, (BATCH, HIST), 0, VOCAB, dtype=jnp.int64 if jax.config.read('jax_enable_x64') else jnp.int32)
    # glorot_normal for embedding table (fan_in=VOCAB, fan_out=DIM)
    stddev = (2.0 / (VOCAB + DIM)) ** 0.5
    embeddings = jax.random.normal(k_emb, (VOCAB, DIM), dtype=jnp.float32) * stddev
    return {"inputs": inputs, "embeddings": embeddings}

def reference(inputs, embeddings):
    # tf.nn.embedding_lookup(embeddings, inputs) -> gather along axis 0
    return jnp.take(embeddings, inputs, axis=0)

if __name__ == "__main__":
    import jax
    _d = setup_inputs()
    print(jax.jit(kernel)(*tuple(_d.values())))

</pallas_src>

<mosaic_0001>
#map = affine_map<(d0, d1) -> (0, 0, 0)>
#map1 = affine_map<(d0, d1) -> (0, 0)>
module attributes {stable_mosaic.version = 14 : i64} {
  func.func @_sc_gather(%arg0: i32, %arg1: i32, %arg2: memref<32x50x128xi32, #tpu.memory_space<hbm>>, %arg3: memref<1000000x64xf32, #tpu.memory_space<hbm>>, %arg4: memref<204800x64xf32, #tpu.memory_space<hbm>>, %arg5: memref<50x128xi32, #tpu.memory_space<vmem>>, %arg6: memref<640x64xf32, #tpu.memory_space<vmem>>, %arg7: memref<640x64xf32, #tpu.memory_space<vmem>>, %arg8: memref<!tpu.dma_semaphore, #tpu.memory_space<semaphore_mem>>, %arg9: memref<!tpu.dma_semaphore, #tpu.memory_space<semaphore_mem>>, %arg10: memref<!tpu.dma_semaphore, #tpu.memory_space<semaphore_mem>>, %arg11: memref<!tpu.dma_semaphore, #tpu.memory_space<semaphore_mem>>) attributes {dimension_semantics = [#tpu.dimension_semantics<core_parallel>, #tpu.dimension_semantics<subcore_parallel>], iteration_bounds = array<i64: 2, 16>, scalar_prefetch = 0 : i64, scratch_operands = 7 : i64, tpu.core_type = #tpu.core_type<sc_vector_subcore>, window_params = [{transform_indices = #map}, {transform_indices = #map1}, {transform_indices = #map1}]} {
    %mul3A = arith.constant 2 : i32
    %mul3A_0 = arith.muli %arg1, %mul3A : i32
    %add3A = arith.addi %mul3A_0, %arg0 : i32
    %mul3A_1 = arith.constant 6400 : i32
    %mul3A_2 = arith.muli %add3A, %mul3A_1 : i32
    "tpu.region"() ({
      %run_scoped3A = tpu.sem_alloc : memref<!tpu.dma_semaphore, #tpu.memory_space<semaphore_mem>>
      %dma_start3A_142 = arith.constant 0 : i32
      %dma_start3A_143 = arith.constant 0 : i32
      %dma_start3A_144 = tpu.memref_slice %arg2[%add3A, %dma_start3A_142, %dma_start3A_143] : memref<32x50x128xi32, #tpu.memory_space<hbm>> -> memref<1x50x128xi32, #tpu.memory_space<hbm>>
      %dma_start3A_145 = tpu.memref_squeeze %dma_start3A_144 : memref<1x50x128xi32, #tpu.memory_space<hbm>> -> memref<50x128xi32, #tpu.memory_space<hbm>>
      %dma_start3A_146 = arith.constant 0 : i32
      %dma_start3A_147 = arith.constant 0 : i32
      %dma_start3A_148 = tpu.memref_slice %arg2[%add3A, %dma_start3A_146, %dma_start3A_147] : memref<32x50x128xi32, #tpu.memory_space<hbm>> -> memref<1x50x128xi32, #tpu.memory_space<hbm>>
      %dma_start3A_149 = tpu.memref_squeeze %dma_start3A_148 : memref<1x50x128xi32, #tpu.memory_space<hbm>> -> memref<50x128xi32, #tpu.memory_space<hbm>>
      tpu.enqueue_dma source(%dma_start3A_149 : memref<50x128xi32, #tpu.memory_space<hbm>>) target(%arg5 : memref<50x128xi32, #tpu.memory_space<vmem>>) target_semaphore(%run_scoped3A : memref<!tpu.dma_semaphore, #tpu.memory_space<semaphore_mem>>)
      %dma_wait3A_150 = arith.constant 0 : i32
      %dma_wait3A_151 = arith.constant 0 : i32
      %dma_wait3A_152 = tpu.memref_slice %arg2[%add3A, %dma_wait3A_150, %dma_wait3A_151] : memref<32x50x128xi32, #tpu.memory_space<hbm>> -> memref<1x50x128xi32, #tpu.memory_space<hbm>>
      %dma_wait3A_153 = tpu.memref_squeeze %dma_wait3A_152 : memref<1x50x128xi32, #tpu.memory_space<hbm>> -> memref<50x128xi32, #tpu.memory_space<hbm>>
      %dma_wait3A_154 = arith.constant 0 : i32
      %dma_wait3A_155 = arith.constant 0 : i32
      %dma_wait3A_156 = tpu.memref_slice %arg2[%add3A, %dma_wait3A_154, %dma_wait3A_155] : memref<32x50x128xi32, #tpu.memory_space<hbm>> -> memref<1x50x128xi32, #tpu.memory_space<hbm>>
      %dma_wait3A_157 = tpu.memref_squeeze %dma_wait3A_156 : memref<1x50x128xi32, #tpu.memory_space<hbm>> -> memref<50x128xi32, #tpu.memory_space<hbm>>
      tpu.wait_dma2 semaphore(%run_scoped3A : memref<!tpu.dma_semaphore, #tpu.memory_space<semaphore_mem>>) src(%dma_wait3A_157 : memref<50x128xi32, #tpu.memory_space<hbm>>) dst(%arg5 : memref<50x128xi32, #tpu.memory_space<vmem>>)
      tpu.yield
    }) : () -> ()
    %dma_start3A = arith.constant 0 : i32
    %dma_start3A_3 = arith.constant 0 : i32
    %dma_start3A_4 = arith.constant 0 : i32
    %dma_start3A_5 = tpu.memref_slice %arg6[%dma_start3A_3, %dma_start3A_4] : memref<640x64xf32, #tpu.memory_space<vmem>> -> memref<128x64xf32, #tpu.memory_space<vmem>>
    %dma_start3A_6 = arith.constant 0 : i32
    %dma_start3A_7 = tpu.memref_slice %arg5[%dma_start3A, %dma_start3A_6] : memref<50x128xi32, #tpu.memory_space<vmem>> -> memref<1x128xi32, #tpu.memory_space<vmem>>
    %dma_start3A_8 = tpu.memref_squeeze %dma_start3A_7 : memref<1x128xi32, #tpu.memory_space<vmem>> -> memref<128xi32, #tpu.memory_space<vmem>>
    %dma_start3A_9 = arith.constant 0 : i32
    %dma_start3A_10 = arith.constant 0 : i32
    %dma_start3A_11 = tpu.memref_slice %arg3[%dma_start3A_9, %dma_start3A_10] : memref<1000000x64xf32, #tpu.memory_space<hbm>> -> memref<1000000x64xf32, #tpu.memory_space<hbm>>
    tpu.enqueue_indirect_dma source(%dma_start3A_11 : memref<1000000x64xf32, #tpu.memory_space<hbm>>) target(%dma_start3A_5 : memref<128x64xf32, #tpu.memory_space<vmem>>) offsets(%dma_start3A_8 : memref<128xi32, #tpu.memory_space<vmem>>) semaphore(%arg8 : memref<!tpu.dma_semaphore, #tpu.memory_space<semaphore_mem>>)
    %dma_start3A_12 = arith.constant 1 : i32
    %dma_start3A_13 = arith.constant 128 : i32
    %dma_start3A_14 = arith.constant 0 : i32
    %dma_start3A_15 = tpu.memref_slice %arg6[%dma_start3A_13, %dma_start3A_14] : memref<640x64xf32, #tpu.memory_space<vmem>> -> memref<128x64xf32, #tpu.memory_space<vmem>>
    %dma_start3A_16 = arith.constant 0 : i32
    %dma_start3A_17 = tpu.memref_slice %arg5[%dma_start3A_12, %dma_start3A_16] : memref<50x128xi32, #tpu.memory_space<vmem>> -> memref<1x128xi32, #tpu.memory_space<vmem>>
    %dma_start3A_18 = tpu.memref_squeeze %dma_start3A_17 : memref<1x128xi32, #tpu.memory_space<vmem>> -> memref<128xi32, #tpu.memory_space<vmem>>
    %dma_start3A_19 = arith.constant 0 : i32
    %dma_start3A_20 = arith.constant 0 : i32
    %dma_start3A_21 = tpu.memref_slice %arg3[%dma_start3A_19, %dma_start3A_20] : memref<1000000x64xf32, #tpu.memory_space<hbm>> -> memref<1000000x64xf32, #tpu.memory_space<hbm>>
    tpu.enqueue_indirect_dma source(%dma_start3A_21 : memref<1000000x64xf32, #tpu.memory_space<hbm>>) target(%dma_start3A_15 : memref<128x64xf32, #tpu.memory_space<vmem>>) offsets(%dma_start3A_18 : memref<128xi32, #tpu.memory_space<vmem>>) semaphore(%arg8 : memref<!tpu.dma_semaphore, #tpu.memory_space<semaphore_mem>>)
    %dma_start3A_22 = arith.constant 2 : i32
    %dma_start3A_23 = arith.constant 256 : i32
    %dma_start3A_24 = arith.constant 0 : i32
    %dma_start3A_25 = tpu.memref_slice %arg6[%dma_start3A_23, %dma_start3A_24] : memref<640x64xf32, #tpu.memory_space<vmem>> -> memref<128x64xf32, #tpu.memory_space<vmem>>
    %dma_start3A_26 = arith.constant 0 : i32
    %dma_start3A_27 = tpu.memref_slice %arg5[%dma_start3A_22, %dma_start3A_26] : memref<50x128xi32, #tpu.memory_space<vmem>> -> memref<1x128xi32, #tpu.memory_space<vmem>>
    %dma_start3A_28 = tpu.memref_squeeze %dma_start3A_27 : memref<1x128xi32, #tpu.memory_space<vmem>> -> memref<128xi32, #tpu.memory_space<vmem>>
    %dma_start3A_29 = arith.constant 0 : i32
    %dma_start3A_30 = arith.constant 0 : i32
    %dma_start3A_31 = tpu.memref_slice %arg3[%dma_start3A_29, %dma_start3A_30] : memref<1000000x64xf32, #tpu.memory_space<hbm>> -> memref<1000000x64xf32, #tpu.memory_space<hbm>>
    tpu.enqueue_indirect_dma source(%dma_start3A_31 : memref<1000000x64xf32, #tpu.memory_space<hbm>>) target(%dma_start3A_25 : memref<128x64xf32, #tpu.memory_space<vmem>>) offsets(%dma_start3A_28 : memref<128xi32, #tpu.memory_space<vmem>>) semaphore(%arg8 : memref<!tpu.dma_semaphore, #tpu.memory_space<semaphore_mem>>)
    %dma_start3A_32 = arith.constant 3 : i32
    %dma_start3A_33 = arith.constant 384 : i32
    %dma_start3A_34 = arith.constant 0 : i32
    %dma_start3A_35 = tpu.memref_slice %arg6[%dma_start3A_33, %dma_start3A_34] : memref<640x64xf32, #tpu.memory_space<vmem>> -> memref<128x64xf32, #tpu.memory_space<vmem>>
    %dma_start3A_36 = arith.constant 0 : i32
    %dma_start3A_37 = tpu.memref_slice %arg5[%dma_start3A_32, %dma_start3A_36] : memref<50x128xi32, #tpu.memory_space<vmem>> -> memref<1x128xi32, #tpu.memory_space<vmem>>
    %dma_start3A_38 = tpu.memref_squeeze %dma_start3A_37 : memref<1x128xi32, #tpu.memory_space<vmem>> -> memref<128xi32, #tpu.memory_space<vmem>>
    %dma_start3A_39 = arith.constant 0 : i32
    %dma_start3A_40 = arith.constant 0 : i32
    %dma_start3A_41 = tpu.memref_slice %arg3[%dma_start3A_39, %dma_start3A_40] : memref<1000000x64xf32, #tpu.memory_space<hbm>> -> memref<1000000x64xf32, #tpu.memory_space<hbm>>
    tpu.enqueue_indirect_dma source(%dma_start3A_41 : memref<1000000x64xf32, #tpu.memory_space<hbm>>) target(%dma_start3A_35 : memref<128x64xf32, #tpu.memory_space<vmem>>) offsets(%dma_start3A_38 : memref<128xi32, #tpu.memory_space<vmem>>) semaphore(%arg8 : memref<!tpu.dma_semaphore, #tpu.memory_space<semaphore_mem>>)
    %dma_start3A_42 = arith.constant 4 : i32
    %dma_start3A_43 = arith.constant 512 : i32
    %dma_start3A_44 = arith.constant 0 : i32
    %dma_start3A_45 = tpu.memref_slice %arg6[%dma_start3A_43, %dma_start3A_44] : memref<640x64xf32, #tpu.memory_space<vmem>> -> memref<128x64xf32, #tpu.memory_space<vmem>>
    %dma_start3A_46 = arith.constant 0 : i32
    %dma_start3A_47 = tpu.memref_slice %arg5[%dma_start3A_42, %dma_start3A_46] : memref<50x128xi32, #tpu.memory_space<vmem>> -> memref<1x128xi32, #tpu.memory_space<vmem>>
    %dma_start3A_48 = tpu.memref_squeeze %dma_start3A_47 : memref<1x128xi32, #tpu.memory_space<vmem>> -> memref<128xi32, #tpu.memory_space<vmem>>
    %dma_start3A_49 = arith.constant 0 : i32
    %dma_start3A_50 = arith.constant 0 : i32
    %dma_start3A_51 = tpu.memref_slice %arg3[%dma_start3A_49, %dma_start3A_50] : memref<1000000x64xf32, #tpu.memory_space<hbm>> -> memref<1000000x64xf32, #tpu.memory_space<hbm>>
    tpu.enqueue_indirect_dma source(%dma_start3A_51 : memref<1000000x64xf32, #tpu.memory_space<hbm>>) target(%dma_start3A_45 : memref<128x64xf32, #tpu.memory_space<vmem>>) offsets(%dma_start3A_48 : memref<128xi32, #tpu.memory_space<vmem>>) semaphore(%arg8 : memref<!tpu.dma_semaphore, #tpu.memory_space<semaphore_mem>>)
    %dma_start3A_52 = arith.constant 5 : i32
    %dma_start3A_53 = arith.constant 0 : i32
    %dma_start3A_54 = arith.constant 0 : i32
    %dma_start3A_55 = tpu.memref_slice %arg7[%dma_start3A_53, %dma_start3A_54] : memref<640x64xf32, #tpu.memory_space<vmem>> -> memref<128x64xf32, #tpu.memory_space<vmem>>
    %dma_start3A_56 = arith.constant 0 : i32
    %dma_start3A_57 = tpu.memref_slice %arg5[%dma_start3A_52, %dma_start3A_56] : memref<50x128xi32, #tpu.memory_space<vmem>> -> memref<1x128xi32, #tpu.memory_space<vmem>>
    %dma_start3A_58 = tpu.memref_squeeze %dma_start3A_57 : memref<1x128xi32, #tpu.memory_space<vmem>> -> memref<128xi32, #tpu.memory_space<vmem>>
    %dma_start3A_59 = arith.constant 0 : i32
    %dma_start3A_60 = arith.constant 0 : i32
    %dma_start3A_61 = tpu.memref_slice %arg3[%dma_start3A_59, %dma_start3A_60] : memref<1000000x64xf32, #tpu.memory_space<hbm>> -> memref<1000000x64xf32, #tpu.memory_space<hbm>>
    tpu.enqueue_indirect_dma source(%dma_start3A_61 : memref<1000000x64xf32, #tpu.memory_space<hbm>>) target(%dma_start3A_55 : memref<128x64xf32, #tpu.memory_space<vmem>>) offsets(%dma_start3A_58 : memref<128xi32, #tpu.memory_space<vmem>>) semaphore(%arg9 : memref<!tpu.dma_semaphore, #tpu.memory_space<semaphore_mem>>)
    %dma_start3A_62 = arith.constant 6 : i32
    %dma_start3A_63 = arith.constant 128 : i32
    %dma_start3A_64 = arith.constant 0 : i32
    %dma_start3A_65 = tpu.memref_slice %arg7[%dma_start3A_63, %dma_start3A_64] : memref<640x64xf32, #tpu.memory_space<vmem>> -> memref<128x64xf32, #tpu.memory_space<vmem>>
    %dma_start3A_66 = arith.constant 0 : i32
    %dma_start3A_67 = tpu.memref_slice %arg5[%dma_start3A_62, %dma_start3A_66] : memref<50x128xi32, #tpu.memory_space<vmem>> -> memref<1x128xi32, #tpu.memory_space<vmem>>
    %dma_start3A_68 = tpu.memref_squeeze %dma_start3A_67 : memref<1x128xi32, #tpu.memory_space<vmem>> -> memref<128xi32, #tpu.memory_space<vmem>>
    %dma_start3A_69 = arith.constant 0 : i32
    %dma_start3A_70 = arith.constant 0 : i32
    %dma_start3A_71 = tpu.memref_slice %arg3[%dma_start3A_69, %dma_start3A_70] : memref<1000000x64xf32, #tpu.memory_space<hbm>> -> memref<1000000x64xf32, #tpu.memory_space<hbm>>
    tpu.enqueue_indirect_dma source(%dma_start3A_71 : memref<1000000x64xf32, #tpu.memory_space<hbm>>) target(%dma_start3A_65 : memref<128x64xf32, #tpu.memory_space<vmem>>) offsets(%dma_start3A_68 : memref<128xi32, #tpu.memory_space<vmem>>) semaphore(%arg9 : memref<!tpu.dma_semaphore, #tpu.memory_space<semaphore_mem>>)
    %dma_start3A_72 = arith.constant 7 : i32
    %dma_start3A_73 = arith.constant 256 : i32
    %dma_start3A_74 = arith.constant 0 : i32
    %dma_start3A_75 = tpu.memref_slice %arg7[%dma_start3A_73, %dma_start3A_74] : memref<640x64xf32, #tpu.memory_space<vmem>> -> memref<128x64xf32, #tpu.memory_space<vmem>>
    %dma_start3A_76 = arith.constant 0 : i32
    %dma_start3A_77 = tpu.memref_slice %arg5[%dma_start3A_72, %dma_start3A_76] : memref<50x128xi32, #tpu.memory_space<vmem>> -> memref<1x128xi32, #tpu.memory_space<vmem>>
    %dma_start3A_78 = tpu.memref_squeeze %dma_start3A_77 : memref<1x128xi32, #tpu.memory_space<vmem>> -> memref<128xi32, #tpu.memory_space<vmem>>
    %dma_start3A_79 = arith.constant 0 : i32
    %dma_start3A_80 = arith.constant 0 : i32
    %dma_start3A_81 = tpu.memref_slice %arg3[%dma_start3A_79, %dma_start3A_80] : memref<1000000x64xf32, #tpu.memory_space<hbm>> -> memref<1000000x64xf32, #tpu.memory_space<hbm>>
    tpu.enqueue_indirect_dma source(%dma_start3A_81 : memref<1000000x64xf32, #tpu.memory_space<hbm>>) target(%dma_start3A_75 : memref<128x64xf32, #tpu.memory_space<vmem>>) offsets(%dma_start3A_78 : memref<128xi32, #tpu.memory_space<vmem>>) semaphore(%arg9 : memref<!tpu.dma_semaphore, #tpu.memory_space<semaphore_mem>>)
    %dma_start3A_82 = arith.constant 8 : i32
    %dma_start3A_83 = arith.constant 384 : i32
    %dma_start3A_84 = arith.constant 0 : i32
    %dma_start3A_85 = tpu.memref_slice %arg7[%dma_start3A_83, %dma_start3A_84] : memref<640x64xf32, #tpu.memory_space<vmem>> -> memref<128x64xf32, #tpu.memory_space<vmem>>
    %dma_start3A_86 = arith.constant 0 : i32
    %dma_start3A_87 = tpu.memref_slice %arg5[%dma_start3A_82, %dma_start3A_86] : memref<50x128xi32, #tpu.memory_space<vmem>> -> memref<1x128xi32, #tpu.memory_space<vmem>>
    %dma_start3A_88 = tpu.memref_squeeze %dma_start3A_87 : memref<1x128xi32, #tpu.memory_space<vmem>> -> memref<128xi32, #tpu.memory_space<vmem>>
    %dma_start3A_89 = arith.constant 0 : i32
    %dma_start3A_90 = arith.constant 0 : i32
    %dma_start3A_91 = tpu.memref_slice %arg3[%dma_start3A_89, %dma_start3A_90] : memref<1000000x64xf32, #tpu.memory_space<hbm>> -> memref<1000000x64xf32, #tpu.memory_space<hbm>>
    tpu.enqueue_indirect_dma source(%dma_start3A_91 : memref<1000000x64xf32, #tpu.memory_space<hbm>>) target(%dma_start3A_85 : memref<128x64xf32, #tpu.memory_space<vmem>>) offsets(%dma_start3A_88 : memref<128xi32, #tpu.memory_space<vmem>>) semaphore(%arg9 : memref<!tpu.dma_semaphore, #tpu.memory_space<semaphore_mem>>)
    %dma_start3A_92 = arith.constant 9 : i32
    %dma_start3A_93 = arith.constant 512 : i32
    %dma_start3A_94 = arith.constant 0 : i32
    %dma_start3A_95 = tpu.memref_slice %arg7[%dma_start3A_93, %dma_start3A_94] : memref<640x64xf32, #tpu.memory_space<vmem>> -> memref<128x64xf32, #tpu.memory_space<vmem>>
    %dma_start3A_96 = arith.constant 0 : i32
    %dma_start3A_97 = tpu.memref_slice %arg5[%dma_start3A_92, %dma_start3A_96] : memref<50x128xi32, #tpu.memory_space<vmem>> -> memref<1x128xi32, #tpu.memory_space<vmem>>
    %dma_start3A_98 = tpu.memref_squeeze %dma_start3A_97 : memref<1x128xi32, #tpu.memory_space<vmem>> -> memref<128xi32, #tpu.memory_space<vmem>>
    %dma_start3A_99 = arith.constant 0 : i32
    %dma_start3A_100 = arith.constant 0 : i32
    %dma_start3A_101 = tpu.memref_slice %arg3[%dma_start3A_99, %dma_start3A_100] : memref<1000000x64xf32, #tpu.memory_space<hbm>> -> memref<1000000x64xf32, #tpu.memory_space<hbm>>
    tpu.enqueue_indirect_dma source(%dma_start3A_101 : memref<1000000x64xf32, #tpu.memory_space<hbm>>) target(%dma_start3A_95 : memref<128x64xf32, #tpu.memory_space<vmem>>) offsets(%dma_start3A_98 : memref<128xi32, #tpu.memory_space<vmem>>) semaphore(%arg9 : memref<!tpu.dma_semaphore, #tpu.memory_space<semaphore_mem>>)
    %dma_wait3A = arith.constant 0 : i32
    %dma_wait3A_102 = arith.constant 0 : i32
    %dma_wait3A_103 = tpu.memref_slice %arg4[%dma_wait3A, %dma_wait3A_102] : memref<204800x64xf32, #tpu.memory_space<hbm>> -> memref<640x64xf32, #tpu.memory_space<hbm>>
    %dma_wait3A_104 = arith.constant 0 : i32
    %dma_wait3A_105 = arith.constant 0 : i32
    %dma_wait3A_106 = tpu.memref_slice %arg4[%dma_wait3A_104, %dma_wait3A_105] : memref<204800x64xf32, #tpu.memory_space<hbm>> -> memref<640x64xf32, #tpu.memory_space<hbm>>
    tpu.wait_dma2 semaphore(%arg8 : memref<!tpu.dma_semaphore, #tpu.memory_space<semaphore_mem>>) src(%dma_wait3A_106 : memref<640x64xf32, #tpu.memory_space<hbm>>) dst(%arg6 : memref<640x64xf32, #tpu.memory_space<vmem>>)
    %add3A_107 = arith.constant 0 : i32
    %add3A_108 = arith.addi %mul3A_2, %add3A_107 : i32
    %dma_start3A_109 = arith.constant 0 : i32
    %dma_start3A_110 = tpu.memref_slice %arg4[%add3A_108, %dma_start3A_109] : memref<204800x64xf32, #tpu.memory_space<hbm>> -> memref<640x64xf32, #tpu.memory_space<hbm>>
    %dma_start3A_111 = arith.constant 0 : i32
    %dma_start3A_112 = tpu.memref_slice %arg4[%add3A_108, %dma_start3A_111] : memref<204800x64xf32, #tpu.memory_space<hbm>> -> memref<640x64xf32, #tpu.memory_space<hbm>>
    tpu.enqueue_dma source(%arg6 : memref<640x64xf32, #tpu.memory_space<vmem>>) target(%dma_start3A_112 : memref<640x64xf32, #tpu.memory_space<hbm>>) target_semaphore(%arg10 : memref<!tpu.dma_semaphore, #tpu.memory_space<semaphore_mem>>)
    %scan3A = arith.constant 0 : i32
    %scan3A_113 = arith.constant 0 : i32
    %scan3A_114 = arith.constant 4 : i32
    %scan3A_115 = arith.addi %scan3A_113, %scan3A_114 : i32
    %scan3A_116 = arith.constant 1 : i32
    scf.for %scan3A_142 = %scan3A_113 to %scan3A_115 step %scan3A_116  : i32 {
      %mul3A_143 = arith.constant 2 : i32
      %mul3A_144 = arith.muli %mul3A_143, %scan3A_142 : i32
      %add3A_145 = arith.constant 1 : i32
      %add3A_146 = arith.addi %add3A_145, %mul3A_144 : i32
      %dma_wait3A_147 = arith.constant 0 : i32
      %dma_wait3A_148 = arith.constant 0 : i32
      %dma_wait3A_149 = tpu.memref_slice %arg4[%dma_wait3A_147, %dma_wait3A_148] : memref<204800x64xf32, #tpu.memory_space<hbm>> -> memref<640x64xf32, #tpu.memory_space<hbm>>
      %dma_wait3A_150 = arith.constant 0 : i32
      %dma_wait3A_151 = arith.constant 0 : i32
      %dma_wait3A_152 = tpu.memref_slice %arg4[%dma_wait3A_150, %dma_wait3A_151] : memref<204800x64xf32, #tpu.memory_space<hbm>> -> memref<640x64xf32, #tpu.memory_space<hbm>>
      tpu.wait_dma2 semaphore(%arg9 : memref<!tpu.dma_semaphore, #tpu.memory_space<semaphore_mem>>) src(%dma_wait3A_152 : memref<640x64xf32, #tpu.memory_space<hbm>>) dst(%arg7 : memref<640x64xf32, #tpu.memory_space<vmem>>)
      %mul3A_153 = arith.constant 640 : i32
      %mul3A_154 = arith.muli %add3A_146, %mul3A_153 : i32
      %add3A_155 = arith.addi %mul3A_2, %mul3A_154 : i32
      %dma_start3A_156 = arith.constant 0 : i32
      %dma_start3A_157 = tpu.memref_slice %arg4[%add3A_155, %dma_start3A_156] : memref<204800x64xf32, #tpu.memory_space<hbm>> -> memref<640x64xf32, #tpu.memory_space<hbm>>
      %dma_start3A_158 = arith.constant 0 : i32
      %dma_start3A_159 = tpu.memref_slice %arg4[%add3A_155, %dma_start3A_158] : memref<204800x64xf32, #tpu.memory_space<hbm>> -> memref<640x64xf32, #tpu.memory_space<hbm>>
      tpu.enqueue_dma source(%arg7 : memref<640x64xf32, #tpu.memory_space<vmem>>) target(%dma_start3A_159 : memref<640x64xf32, #tpu.memory_space<hbm>>) target_semaphore(%arg11 : memref<!tpu.dma_semaphore, #tpu.memory_space<semaphore_mem>>)
      %dma_wait3A_160 = arith.constant 0 : i32
      %dma_wait3A_161 = arith.constant 0 : i32
      %dma_wait3A_162 = tpu.memref_slice %arg4[%dma_wait3A_160, %dma_wait3A_161] : memref<204800x64xf32, #tpu.memory_space<hbm>> -> memref<640x64xf32, #tpu.memory_space<hbm>>
      %dma_wait3A_163 = arith.constant 0 : i32
      %dma_wait3A_164 = arith.constant 0 : i32
      %dma_wait3A_165 = tpu.memref_slice %arg4[%dma_wait3A_163, %dma_wait3A_164] : memref<204800x64xf32, #tpu.memory_space<hbm>> -> memref<640x64xf32, #tpu.memory_space<hbm>>
      tpu.wait_dma2 semaphore(%arg10 : memref<!tpu.dma_semaphore, #tpu.memory_space<semaphore_mem>>) src(%arg6 : memref<640x64xf32, #tpu.memory_space<vmem>>) dst(%dma_wait3A_165 : memref<640x64xf32, #tpu.memory_space<hbm>>)
      %add3A_166 = arith.constant 1 : i32
      %add3A_167 = arith.addi %add3A_146, %add3A_166 : i32
      %mul3A_168 = arith.constant 5 : i32
      %mul3A_169 = arith.muli %add3A_167, %mul3A_168 : i32
      %add3A_170 = arith.constant 0 : i32
      %add3A_171 = arith.addi %mul3A_169, %add3A_170 : i32
      %dma_start3A_172 = arith.constant 0 : i32
      %dma_start3A_173 = arith.constant 0 : i32
      %dma_start3A_174 = tpu.memref_slice %arg6[%dma_start3A_172, %dma_start3A_173] : memref<640x64xf32, #tpu.memory_space<vmem>> -> memref<128x64xf32, #tpu.memory_space<vmem>>
      %dma_start3A_175 = arith.constant 0 : i32
      %dma_start3A_176 = tpu.memref_slice %arg5[%add3A_171, %dma_start3A_175] : memref<50x128xi32, #tpu.memory_space<vmem>> -> memref<1x128xi32, #tpu.memory_space<vmem>>
      %dma_start3A_177 = tpu.memref_squeeze %dma_start3A_176 : memref<1x128xi32, #tpu.memory_space<vmem>> -> memref<128xi32, #tpu.memory_space<vmem>>
      %dma_start3A_178 = arith.constant 0 : i32
      %dma_start3A_179 = arith.constant 0 : i32
      %dma_start3A_180 = tpu.memref_slice %arg3[%dma_start3A_178, %dma_start3A_179] : memref<1000000x64xf32, #tpu.memory_space<hbm>> -> memref<1000000x64xf32, #tpu.memory_space<hbm>>
      tpu.enqueue_indirect_dma source(%dma_start3A_180 : memref<1000000x64xf32, #tpu.memory_space<hbm>>) target(%dma_start3A_174 : memref<128x64xf32, #tpu.memory_space<vmem>>) offsets(%dma_start3A_177 : memref<128xi32, #tpu.memory_space<vmem>>) semaphore(%arg8 : memref<!tpu.dma_semaphore, #tpu.memory_space<semaphore_mem>>)
      %mul3A_181 = arith.constant 5 : i32
      %mul3A_182 = arith.muli %add3A_167, %mul3A_181 : i32
      %add3A_183 = arith.constant 1 : i32
      %add3A_184 = arith.addi %mul3A_182, %add3A_183 : i32
      %dma_start3A_185 = arith.constant 128 : i32
      %dma_start3A_186 = arith.constant 0 : i32
      %dma_start3A_187 = tpu.memref_slice %arg6[%dma_start3A_185, %dma_start3A_186] : memref<640x64xf32, #tpu.memory_space<vmem>> -> memref<128x64xf32, #tpu.memory_space<vmem>>
      %dma_start3A_188 = arith.constant 0 : i32
      %dma_start3A_189 = tpu.memref_slice %arg5[%add3A_184, %dma_start3A_188] : memref<50x128xi32, #tpu.memory_space<vmem>> -> memref<1x128xi32, #tpu.memory_space<vmem>>
      %dma_start3A_190 = tpu.memref_squeeze %dma_start3A_189 : memref<1x128xi32, #tpu.memory_space<vmem>> -> memref<128xi32, #tpu.memory_space<vmem>>
      %dma_start3A_191 = arith.constant 0 : i32
      %dma_start3A_192 = arith.constant 0 : i32
      %dma_start3A_193 = tpu.memref_slice %arg3[%dma_start3A_191, %dma_start3A_192] : memref<1000000x64xf32, #tpu.memory_space<hbm>> -> memref<1000000x64xf32, #tpu.memory_space<hbm>>
      tpu.enqueue_indirect_dma source(%dma_start3A_193 : memref<1000000x64xf32, #tpu.memory_space<hbm>>) target(%dma_start3A_187 : memref<128x64xf32, #tpu.memory_space<vmem>>) offsets(%dma_start3A_190 : memref<128xi32, #tpu.memory_space<vmem>>) semaphore(%arg8 : memref<!tpu.dma_semaphore, #tpu.memory_space<semaphore_mem>>)
      %mul3A_194 = arith.constant 5 : i32
      %mul3A_195 = arith.muli %add3A_167, %mul3A_194 : i32
      %add3A_196 = arith.constant 2 : i32
      %add3A_197 = arith.addi %mul3A_195, %add3A_196 : i32
      %dma_start3A_198 = arith.constant 256 : i32
      %dma_start3A_199 = arith.constant 0 : i32
      %dma_start3A_200 = tpu.memref_slice %arg6[%dma_start3A_198, %dma_start3A_199] : memref<640x64xf32, #tpu.memory_space<vmem>> -> memref<128x64xf32, #tpu.memory_space<vmem>>
      %dma_start3A_201 = arith.constant 0 : i32
      %dma_start3A_202 = tpu.memref_slice %arg5[%add3A_197, %dma_start3A_201] : memref<50x128xi32, #tpu.memory_space<vmem>> -> memref<1x128xi32, #tpu.memory_space<vmem>>
      %dma_start3A_203 = tpu.memref_squeeze %dma_start3A_202 : memref<1x128xi32, #tpu.memory_space<vmem>> -> memref<128xi32, #tpu.memory_space<vmem>>
      %dma_start3A_204 = arith.constant 0 : i32
      %dma_start3A_205 = arith.constant 0 : i32
      %dma_start3A_206 = tpu.memref_slice %arg3[%dma_start3A_204, %dma_start3A_205] : memref<1000000x64xf32, #tpu.memory_space<hbm>> -> memref<1000000x64xf32, #tpu.memory_space<hbm>>
      tpu.enqueue_indirect_dma source(%dma_start3A_206 : memref<1000000x64xf32, #tpu.memory_space<hbm>>) target(%dma_start3A_200 : memref<128x64xf32, #tpu.memory_space<vmem>>) offsets(%dma_start3A_203 : memref<128xi32, #tpu.memory_space<vmem>>) semaphore(%arg8 : memref<!tpu.dma_semaphore, #tpu.memory_space<semaphore_mem>>)
      %mul3A_207 = arith.constant 5 : i32
      %mul3A_208 = arith.muli %add3A_167, %mul3A_207 : i32
      %add3A_209 = arith.constant 3 : i32
      %add3A_210 = arith.addi %mul3A_208, %add3A_209 : i32
      %dma_start3A_211 = arith.constant 384 : i32
      %dma_start3A_212 = arith.constant 0 : i32
      %dma_start3A_213 = tpu.memref_slice %arg6[%dma_start3A_211, %dma_start3A_212] : memref<640x64xf32, #tpu.memory_space<vmem>> -> memref<128x64xf32, #tpu.memory_space<vmem>>
      %dma_start3A_214 = arith.constant 0 : i32
      %dma_start3A_215 = tpu.memref_slice %arg5[%add3A_210, %dma_start3A_214] : memref<50x128xi32, #tpu.memory_space<vmem>> -> memref<1x128xi32, #tpu.memory_space<vmem>>
      %dma_start3A_216 = tpu.memref_squeeze %dma_start3A_215 : memref<1x128xi32, #tpu.memory_space<vmem>> -> memref<128xi32, #tpu.memory_space<vmem>>
      %dma_start3A_217 = arith.constant 0 : i32
      %dma_start3A_218 = arith.constant 0 : i32
      %dma_start3A_219 = tpu.memref_slice %arg3[%dma_start3A_217, %dma_start3A_218] : memref<1000000x64xf32, #tpu.memory_space<hbm>> -> memref<1000000x64xf32, #tpu.memory_space<hbm>>
      tpu.enqueue_indirect_dma source(%dma_start3A_219 : memref<1000000x64xf32, #tpu.memory_space<hbm>>) target(%dma_start3A_213 : memref<128x64xf32, #tpu.memory_space<vmem>>) offsets(%dma_start3A_216 : memref<128xi32, #tpu.memory_space<vmem>>) semaphore(%arg8 : memref<!tpu.dma_semaphore, #tpu.memory_space<semaphore_mem>>)
      %mul3A_220 = arith.constant 5 : i32
      %mul3A_221 = arith.muli %add3A_167, %mul3A_220 : i32
      %add3A_222 = arith.constant 4 : i32
      %add3A_223 = arith.addi %mul3A_221, %add3A_222 : i32
      %dma_start3A_224 = arith.constant 512 : i32
      %dma_start3A_225 = arith.constant 0 : i32
      %dma_start3A_226 = tpu.memref_slice %arg6[%dma_start3A_224, %dma_start3A_225] : memref<640x64xf32, #tpu.memory_space<vmem>> -> memref<128x64xf32, #tpu.memory_space<vmem>>
      %dma_start3A_227 = arith.constant 0 : i32
      %dma_start3A_228 = tpu.memref_slice %arg5[%add3A_223, %dma_start3A_227] : memref<50x128xi32, #tpu.memory_space<vmem>> -> memref<1x128xi32, #tpu.memory_space<vmem>>
      %dma_start3A_229 = tpu.memref_squeeze %dma_start3A_228 : memref<1x128xi32, #tpu.memory_space<vmem>> -> memref<128xi32, #tpu.memory_space<vmem>>
      %dma_start3A_230 = arith.constant 0 : i32
      %dma_start3A_231 = arith.constant 0 : i32
      %dma_start3A_232 = tpu.memref_slice %arg3[%dma_start3A_230, %dma_start3A_231] : memref<1000000x64xf32, #tpu.memory_space<hbm>> -> memref<1000000x64xf32, #tpu.memory_space<hbm>>
      tpu.enqueue_indirect_dma source(%dma_start3A_232 : memref<1000000x64xf32, #tpu.memory_space<hbm>>) target(%dma_start3A_226 : memref<128x64xf32, #tpu.memory_space<vmem>>) offsets(%dma_start3A_229 : memref<128xi32, #tpu.memory_space<vmem>>) semaphore(%arg8 : memref<!tpu.dma_semaphore, #tpu.memory_space<semaphore_mem>>)
      %dma_wait3A_233 = arith.constant 0 : i32
      %dma_wait3A_234 = arith.constant 0 : i32
      %dma_wait3A_235 = tpu.memref_slice %arg4[%dma_wait3A_233, %dma_wait3A_234] : memref<204800x64xf32, #tpu.memory_space<hbm>> -> memref<640x64xf32, #tpu.memory_space<hbm>>
      %dma_wait3A_236 = arith.constant 0 : i32
      %dma_wait3A_237 = arith.constant 0 : i32
      %dma_wait3A_238 = tpu.memref_slice %arg4[%dma_wait3A_236, %dma_wait3A_237] : memref<204800x64xf32, #tpu.memory_space<hbm>> -> memref<640x64xf32, #tpu.memory_space<hbm>>
      tpu.wait_dma2 semaphore(%arg8 : memref<!tpu.dma_semaphore, #tpu.memory_space<semaphore_mem>>) src(%dma_wait3A_238 : memref<640x64xf32, #tpu.memory_space<hbm>>) dst(%arg6 : memref<640x64xf32, #tpu.memory_space<vmem>>)
      %add3A_239 = arith.constant 1 : i32
      %add3A_240 = arith.addi %add3A_146, %add3A_239 : i32
      %mul3A_241 = arith.constant 640 : i32
      %mul3A_242 = arith.muli %add3A_240, %mul3A_241 : i32
      %add3A_243 = arith.addi %mul3A_2, %mul3A_242 : i32
      %dma_start3A_244 = arith.constant 0 : i32
      %dma_start3A_245 = tpu.memref_slice %arg4[%add3A_243, %dma_start3A_244] : memref<204800x64xf32, #tpu.memory_space<hbm>> -> memref<640x64xf32, #tpu.memory_space<hbm>>
      %dma_start3A_246 = arith.constant 0 : i32
      %dma_start3A_247 = tpu.memref_slice %arg4[%add3A_243, %dma_start3A_246] : memref<204800x64xf32, #tpu.memory_space<hbm>> -> memref<640x64xf32, #tpu.memory_space<hbm>>
      tpu.enqueue_dma source(%arg6 : memref<640x64xf32, #tpu.memory_space<vmem>>) target(%dma_start3A_247 : memref<640x64xf32, #tpu.memory_space<hbm>>) target_semaphore(%arg10 : memref<!tpu.dma_semaphore, #tpu.memory_space<semaphore_mem>>)
      %dma_wait3A_248 = arith.constant 0 : i32
      %dma_wait3A_249 = arith.constant 0 : i32
      %dma_wait3A_250 = tpu.memref_slice %arg4[%dma_wait3A_248, %dma_wait3A_249] : memref<204800x64xf32, #tpu.memory_space<hbm>> -> memref<640x64xf32, #tpu.memory_space<hbm>>
      %dma_wait3A_251 = arith.constant 0 : i32
      %dma_wait3A_252 = arith.constant 0 : i32
      %dma_wait3A_253 = tpu.memref_slice %arg4[%dma_wait3A_251, %dma_wait3A_252] : memref<204800x64xf32, #tpu.memory_space<hbm>> -> memref<640x64xf32, #tpu.memory_space<hbm>>
      tpu.wait_dma2 semaphore(%arg11 : memref<!tpu.dma_semaphore, #tpu.memory_space<semaphore_mem>>) src(%arg7 : memref<640x64xf32, #tpu.memory_space<vmem>>) dst(%dma_wait3A_253 : memref<640x64xf32, #tpu.memory_space<hbm>>)
      %add3A_254 = arith.constant 2 : i32
      %add3A_255 = arith.addi %add3A_146, %add3A_254 : i32
      %mul3A_256 = arith.constant 5 : i32
      %mul3A_257 = arith.muli %add3A_255, %mul3A_256 : i32
      %add3A_258 = arith.constant 0 : i32
      %add3A_259 = arith.addi %mul3A_257, %add3A_258 : i32
      %dma_start3A_260 = arith.constant 0 : i32
      %dma_start3A_261 = arith.constant 0 : i32
      %dma_start3A_262 = tpu.memref_slice %arg7[%dma_start3A_260, %dma_start3A_261] : memref<640x64xf32, #tpu.memory_space<vmem>> -> memref<128x64xf32, #tpu.memory_space<vmem>>
      %dma_start3A_263 = arith.constant 0 : i32
      %dma_start3A_264 = tpu.memref_slice %arg5[%add3A_259, %dma_start3A_263] : memref<50x128xi32, #tpu.memory_space<vmem>> -> memref<1x128xi32, #tpu.memory_space<vmem>>
      %dma_start3A_265 = tpu.memref_squeeze %dma_start3A_264 : memref<1x128xi32, #tpu.memory_space<vmem>> -> memref<128xi32, #tpu.memory_space<vmem>>
      %dma_start3A_266 = arith.constant 0 : i32
      %dma_start3A_267 = arith.constant 0 : i32
      %dma_start3A_268 = tpu.memref_slice %arg3[%dma_start3A_266, %dma_start3A_267] : memref<1000000x64xf32, #tpu.memory_space<hbm>> -> memref<1000000x64xf32, #tpu.memory_space<hbm>>
      tpu.enqueue_indirect_dma source(%dma_start3A_268 : memref<1000000x64xf32, #tpu.memory_space<hbm>>) target(%dma_start3A_262 : memref<128x64xf32, #tpu.memory_space<vmem>>) offsets(%dma_start3A_265 : memref<128xi32, #tpu.memory_space<vmem>>) semaphore(%arg9 : memref<!tpu.dma_semaphore, #tpu.memory_space<semaphore_mem>>)
      %mul3A_269 = arith.constant 5 : i32
      %mul3A_270 = arith.muli %add3A_255, %mul3A_269 : i32
      %add3A_271 = arith.constant 1 : i32
      %add3A_272 = arith.addi %mul3A_270, %add3A_271 : i32
      %dma_start3A_273 = arith.constant 128 : i32
      %dma_start3A_274 = arith.constant 0 : i32
      %dma_start3A_275 = tpu.memref_slice %arg7[%dma_start3A_273, %dma_start3A_274] : memref<640x64xf32, #tpu.memory_space<vmem>> -> memref<128x64xf32, #tpu.memory_space<vmem>>
      %dma_start3A_276 = arith.constant 0 : i32
      %dma_start3A_277 = tpu.memref_slice %arg5[%add3A_272, %dma_start3A_276] : memref<50x128xi32, #tpu.memory_space<vmem>> -> memref<1x128xi32, #tpu.memory_space<vmem>>
      %dma_start3A_278 = tpu.memref_squeeze %dma_start3A_277 : memref<1x128xi32, #tpu.memory_space<vmem>> -> memref<128xi32, #tpu.memory_space<vmem>>
      %dma_start3A_279 = arith.constant 0 : i32
      %dma_start3A_280 = arith.constant 0 : i32
      %dma_start3A_281 = tpu.memref_slice %arg3[%dma_start3A_279, %dma_start3A_280] : memref<1000000x64xf32, #tpu.memory_space<hbm>> -> memref<1000000x64xf32, #tpu.memory_space<hbm>>
      tpu.enqueue_indirect_dma source(%dma_start3A_281 : memref<1000000x64xf32, #tpu.memory_space<hbm>>) target(%dma_start3A_275 : memref<128x64xf32, #tpu.memory_space<vmem>>) offsets(%dma_start3A_278 : memref<128xi32, #tpu.memory_space<vmem>>) semaphore(%arg9 : memref<!tpu.dma_semaphore, #tpu.memory_space<semaphore_mem>>)
      %mul3A_282 = arith.constant 5 : i32
      %mul3A_283 = arith.muli %add3A_255, %mul3A_282 : i32
      %add3A_284 = arith.constant 2 : i32
      %add3A_285 = arith.addi %mul3A_283, %add3A_284 : i32
      %dma_start3A_286 = arith.constant 256 : i32
      %dma_start3A_287 = arith.constant 0 : i32
      %dma_start3A_288 = tpu.memref_slice %arg7[%dma_start3A_286, %dma_start3A_287] : memref<640x64xf32, #tpu.memory_space<vmem>> -> memref<128x64xf32, #tpu.memory_space<vmem>>
      %dma_start3A_289 = arith.constant 0 : i32
      %dma_start3A_290 = tpu.memref_slice %arg5[%add3A_285, %dma_start3A_289] : memref<50x128xi32, #tpu.memory_space<vmem>> -> memref<1x128xi32, #tpu.memory_space<vmem>>
      %dma_start3A_291 = tpu.memref_squeeze %dma_start3A_290 : memref<1x128xi32, #tpu.memory_space<vmem>> -> memref<128xi32, #tpu.memory_space<vmem>>
      %dma_start3A_292 = arith.constant 0 : i32
      %dma_start3A_293 = arith.constant 0 : i32
      %dma_start3A_294 = tpu.memref_slice %arg3[%dma_start3A_292, %dma_start3A_293] : memref<1000000x64xf32, #tpu.memory_space<hbm>> -> memref<1000000x64xf32, #tpu.memory_space<hbm>>
      tpu.enqueue_indirect_dma source(%dma_start3A_294 : memref<1000000x64xf32, #tpu.memory_space<hbm>>) target(%dma_start3A_288 : memref<128x64xf32, #tpu.memory_space<vmem>>) offsets(%dma_start3A_291 : memref<128xi32, #tpu.memory_space<vmem>>) semaphore(%arg9 : memref<!tpu.dma_semaphore, #tpu.memory_space<semaphore_mem>>)
      %mul3A_295 = arith.constant 5 : i32
      %mul3A_296 = arith.muli %add3A_255, %mul3A_295 : i32
      %add3A_297 = arith.constant 3 : i32
      %add3A_298 = arith.addi %mul3A_296, %add3A_297 : i32
      %dma_start3A_299 = arith.constant 384 : i32
      %dma_start3A_300 = arith.constant 0 : i32
      %dma_start3A_301 = tpu.memref_slice %arg7[%dma_start3A_299, %dma_start3A_300] : memref<640x64xf32, #tpu.memory_space<vmem>> -> memref<128x64xf32, #tpu.memory_space<vmem>>
      %dma_start3A_302 = arith.constant 0 : i32
      %dma_start3A_303 = tpu.memref_slice %arg5[%add3A_298, %dma_start3A_302] : memref<50x128xi32, #tpu.memory_space<vmem>> -> memref<1x128xi32, #tpu.memory_space<vmem>>
      %dma_start3A_304 = tpu.memref_squeeze %dma_start3A_303 : memref<1x128xi32, #tpu.memory_space<vmem>> -> memref<128xi32, #tpu.memory_space<vmem>>
      %dma_start3A_305 = arith.constant 0 : i32
      %dma_start3A_306 = arith.constant 0 : i32
      %dma_start3A_307 = tpu.memref_slice %arg3[%dma_start3A_305, %dma_start3A_306] : memref<1000000x64xf32, #tpu.memory_space<hbm>> -> memref<1000000x64xf32, #tpu.memory_space<hbm>>
      tpu.enqueue_indirect_dma source(%dma_start3A_307 : memref<1000000x64xf32, #tpu.memory_space<hbm>>) target(%dma_start3A_301 : memref<128x64xf32, #tpu.memory_space<vmem>>) offsets(%dma_start3A_304 : memref<128xi32, #tpu.memory_space<vmem>>) semaphore(%arg9 : memref<!tpu.dma_semaphore, #tpu.memory_space<semaphore_mem>>)
      %mul3A_308 = arith.constant 5 : i32
      %mul3A_309 = arith.muli %add3A_255, %mul3A_308 : i32
      %add3A_310 = arith.constant 4 : i32
      %add3A_311 = arith.addi %mul3A_309, %add3A_310 : i32
      %dma_start3A_312 = arith.constant 512 : i32
      %dma_start3A_313 = arith.constant 0 : i32
      %dma_start3A_314 = tpu.memref_slice %arg7[%dma_start3A_312, %dma_start3A_313] : memref<640x64xf32, #tpu.memory_space<vmem>> -> memref<128x64xf32, #tpu.memory_space<vmem>>
      %dma_start3A_315 = arith.constant 0 : i32
      %dma_start3A_316 = tpu.memref_slice %arg5[%add3A_311, %dma_start3A_315] : memref<50x128xi32, #tpu.memory_space<vmem>> -> memref<1x128xi32, #tpu.memory_space<vmem>>
      %dma_start3A_317 = tpu.memref_squeeze %dma_start3A_316 : memref<1x128xi32, #tpu.memory_space<vmem>> -> memref<128xi32, #tpu.memory_space<vmem>>
      %dma_start3A_318 = arith.constant 0 : i32
      %dma_start3A_319 = arith.constant 0 : i32
      %dma_start3A_320 = tpu.memref_slice %arg3[%dma_start3A_318, %dma_start3A_319] : memref<1000000x64xf32, #tpu.memory_space<hbm>> -> memref<1000000x64xf32, #tpu.memory_space<hbm>>
      tpu.enqueue_indirect_dma source(%dma_start3A_320 : memref<1000000x64xf32, #tpu.memory_space<hbm>>) target(%dma_start3A_314 : memref<128x64xf32, #tpu.memory_space<vmem>>) offsets(%dma_start3A_317 : memref<128xi32, #tpu.memory_space<vmem>>) semaphore(%arg9 : memref<!tpu.dma_semaphore, #tpu.memory_space<semaphore_mem>>)
    }
    %scan3A_117 = arith.constant 4 : i32
    %dma_wait3A_118 = arith.constant 0 : i32
    %dma_wait3A_119 = arith.constant 0 : i32
    %dma_wait3A_120 = tpu.memref_slice %arg4[%dma_wait3A_118, %dma_wait3A_119] : memref<204800x64xf32, #tpu.memory_space<hbm>> -> memref<640x64xf32, #tpu.memory_space<hbm>>
    %dma_wait3A_121 = arith.constant 0 : i32
    %dma_wait3A_122 = arith.constant 0 : i32
    %dma_wait3A_123 = tpu.memref_slice %arg4[%dma_wait3A_121, %dma_wait3A_122] : memref<204800x64xf32, #tpu.memory_space<hbm>> -> memref<640x64xf32, #tpu.memory_space<hbm>>
    tpu.wait_dma2 semaphore(%arg9 : memref<!tpu.dma_semaphore, #tpu.memory_space<semaphore_mem>>) src(%dma_wait3A_123 : memref<640x64xf32, #tpu.memory_space<hbm>>) dst(%arg7 : memref<640x64xf32, #tpu.memory_space<vmem>>)
    %add3A_124 = arith.constant 5760 : i32
    %add3A_125 = arith.addi %mul3A_2, %add3A_124 : i32
    %dma_start3A_126 = arith.constant 0 : i32
    %dma_start3A_127 = tpu.memref_slice %arg4[%add3A_125, %dma_start3A_126] : memref<204800x64xf32, #tpu.memory_space<hbm>> -> memref<640x64xf32, #tpu.memory_space<hbm>>
    %dma_start3A_128 = arith.constant 0 : i32
    %dma_start3A_129 = tpu.memref_slice %arg4[%add3A_125, %dma_start3A_128] : memref<204800x64xf32, #tpu.memory_space<hbm>> -> memref<640x64xf32, #tpu.memory_space<hbm>>
    tpu.enqueue_dma source(%arg7 : memref<640x64xf32, #tpu.memory_space<vmem>>) target(%dma_start3A_129 : memref<640x64xf32, #tpu.memory_space<hbm>>) target_semaphore(%arg11 : memref<!tpu.dma_semaphore, #tpu.memory_space<semaphore_mem>>)
    %dma_wait3A_130 = arith.constant 0 : i32
    %dma_wait3A_131 = arith.constant 0 : i32
    %dma_wait3A_132 = tpu.memref_slice %arg4[%dma_wait3A_130, %dma_wait3A_131] : memref<204800x64xf32, #tpu.memory_space<hbm>> -> memref<640x64xf32, #tpu.memory_space<hbm>>
    %dma_wait3A_133 = arith.constant 0 : i32
    %dma_wait3A_134 = arith.constant 0 : i32
    %dma_wait3A_135 = tpu.memref_slice %arg4[%dma_wait3A_133, %dma_wait3A_134] : memref<204800x64xf32, #tpu.memory_space<hbm>> -> memref<640x64xf32, #tpu.memory_space<hbm>>
    tpu.wait_dma2 semaphore(%arg10 : memref<!tpu.dma_semaphore, #tpu.memory_space<semaphore_mem>>) src(%arg6 : memref<640x64xf32, #tpu.memory_space<vmem>>) dst(%dma_wait3A_135 : memref<640x64xf32, #tpu.memory_space<hbm>>)
    %dma_wait3A_136 = arith.constant 0 : i32
    %dma_wait3A_137 = arith.constant 0 : i32
    %dma_wait3A_138 = tpu.memref_slice %arg4[%dma_wait3A_136, %dma_wait3A_137] : memref<204800x64xf32, #tpu.memory_space<hbm>> -> memref<640x64xf32, #tpu.memory_space<hbm>>
    %dma_wait3A_139 = arith.constant 0 : i32
    %dma_wait3A_140 = arith.constant 0 : i32
    %dma_wait3A_141 = tpu.memref_slice %arg4[%dma_wait3A_139, %dma_wait3A_140] : memref<204800x64xf32, #tpu.memory_space<hbm>> -> memref<640x64xf32, #tpu.memory_space<hbm>>
    tpu.wait_dma2 semaphore(%arg11 : memref<!tpu.dma_semaphore, #tpu.memory_space<semaphore_mem>>) src(%arg7 : memref<640x64xf32, #tpu.memory_space<vmem>>) dst(%dma_wait3A_141 : memref<640x64xf32, #tpu.memory_space<hbm>>)
    return
  }
}

</mosaic_0001>

<sc_bundles>
// kernel: kernel.3.cloned.1.call-start
scs
__scs_entry_jumppad:
0x0: {  	(pc) =	sbr.rel $0x88, $3  }
0x1: {  	(tag) =	ssettag $0x0;
	lr =	simm.s32 $0x1  }
0x2: {  	[smem:$0x3F9F] =	sst lr;
	_ =	strace $0xD0000000  }
0x3: {  	_ = 	snop  }
0x4: {  	_ = 	snop  }
0x5: {  	_ = 	snop  }
0x6: {  	_ = 	snop  }
0x7: {  	_ = 	snop  }
__scs_overlays_trampoline_lowered:
0x8: {  	[smem:$0x3FAE] =	sst s0  }
0x9: {  	[smem:$0x3FAF] =	sst s1  }
0xa: {  	[smem:$0x3FB0] =	sst s2  }
0xb: {  	[smem:$0x3FB1] =	sst s3  }
0xc: {  	[smem:$0x3FB2] =	sst s4  }
0xd: {  	[smem:$0x3FB3] =	sst s5  }
0xe: {  	[smem:$0x3FB4] =	sst s6  }
0xf: {  	[smem:$0x3FB5] =	sst s7  }
0x10: {  	[smem:$0x3FB6] =	sst s8  }
0x11: {  	[smem:$0x3FB7] =	sst s9;
	s0 =	simm.s32 @!p0 $0x0  }
0x12: {  	s1 =	sld [smem:$0x3F9D];
	s0 =	simm.s32 @p0 $0x1  }
0x13: {  	[smem:$0x3FB8] =	sst s0;
	s0 =	simm.s32 @!p1 $0x0  }
0x14: {  	s2 =	sld [smem:$0x3F9C];
	s0 =	simm.s32 @p1 $0x1  }
0x15: {  	[smem:$0x3FB9] =	sst s0;
	s0 =	simm.s32 @!p2 $0x0  }
0x16: {  	s3 =	sld [smem:$0x3FDB];
	s0 =	simm.s32 @p2 $0x1  }
0x17: {  	s4 =	simm.s32 $0x1BF5;
	[smem:$0x3FBB] =	sst s0  }
0x18: {  	s0 =	sld [smem:$0x3F9E];
	_ =	swait.ge [sflag:s4], $0x0  }
0x19: {  	s7 =	sld [smem:$0x3F9F]  }
0x1a: {  	s8 =	sadd.s32 $0xFFFFE003, lr  }
0x1b: {  	s9 =	sadd.s32 $0xFFFFFEF7, lr;
	s5 =	simm.s32 $0xFFFFFFFF;
	p2 =	slt.u32 s8, $0xFFFFF086  }
0x1c: {  	p1 =	slt.u32 s9, $0xF7A;
	s5 =	simm.s32 @!p2 $0x0  }
0x1d: {  	s5 =	simm.s32 @p1 $0x1;
	p0 =	seq.s32 s7, s2  }
0x1e: {  	s7 =	smul.u32 @!p0 $0xF7A, s2;
	p2 =	seq.s32 @!p0 s5, $0x0  }
0x1f: {  	s9 =	smul.u32 $0xF7A, s1;
	s8 =	simm.s32 @!p0 $0x1BF5;
	p2 =	por !p2, p0  }
0x20: {  	[sflag:s8] =	ssyncset.s32 @!p0 $0xFFFFF086;
	s6 =	sadd.s32 @!p0 s3, s7;
	s7 =	simm.s32 @!p0 $0x108  }
0x21: {  	s3 =	sadd.s32 s3, s9;
	s6 =	sadd.s32 @!p0 $0x88, s6;
	s7 =	simm.s32 @p2 $0x1082  }
0x22: {  	[simem:s7], [sflag:s8] =	dma.local @!p0 [hbm:s6], $0xF7A  }
0x23: {  	s9 =	sor.u32 $0xD0000000, s2;
	s6 =	simm.s32 $0x108;
	_ =	swait.ge @!p0 [sflag:s8], $0x0  }
0x24: {  	s3 =	sadd.s32 $0x88, s3;
	s6 =	simm.s32 @!p1 $0x1082;
	[sflag:s4] =	ssyncset.s32 $0xFFFFF086  }
0x25: {  	[simem:s6], [sflag:s4] =	dma.local [hbm:s3], $0xF7A  }
0x26: {  	[smem:$0x3F9F] =	sst s1;
	(tag) =	ssettag s2;
	_ =	strace s9  }
0x27: {  	s1 =	sld [smem:$0x3FAF]  }
0x28: {  	s2 =	sld [smem:$0x3FB0]  }
0x29: {  	s4 =	sld [smem:$0x3FB2]  }
0x2a: {  	p0 =	seq.s32 s5, $0x0;
	s5 =	sld [smem:$0x3FB3]  }
0x2b: {  	s6 =	sld [smem:$0x3FB4]  }
0x2c: {  	s7 =	sld [smem:$0x3FB5]  }
0x2d: {  	s3 =	simm.s32 $0x108;
	s8 =	sld [smem:$0x3FB6]  }
0x2e: {  	s3 =	simm.s32 @!p0 $0x1082;
	s9 =	sld [smem:$0x3FB7]  }
0x2f: {  	lr =	sadd.s32 s0, s3;
	s0 =	sld [smem:$0x3FAE]  }
0x30: {  	s3 =	sld [smem:$0x3FB1]  }
0x31: {  	[smem:$0x3FBA] =	sst s10  }
0x32: {  	s10 =	sld [smem:$0x3FB8];
	_ =	sdelay $0x3  }
0x33: {  	p0 =	seq.s32 s10, $0x1;
	s10 =	sld [smem:$0x3FBA];
	_ =	sdelay $0x3  }
0x34: {  	[smem:$0x3FBA] =	sst s10  }
0x35: {  	s10 =	sld [smem:$0x3FB9];
	_ =	sdelay $0x3  }
0x36: {  	p1 =	seq.s32 s10, $0x1;
	s10 =	sld [smem:$0x3FBA];
	_ =	sdelay $0x3  }
0x37: {  	[smem:$0x3FBA] =	sst s10  }
0x38: {  	s10 =	sld [smem:$0x3FBB]  }
0x39: {  	_ = 	snop;
	(pc) =	sbr.ind lr, $3  }
0x3a: {  	_ = 	snop  }
0x3b: {  	_ = 	snop  }
0x3c: {  	p2 =	seq.s32 s10, $0x1;
	s10 =	sld [smem:$0x3FBA]  }
0x3d: {  	_ =	shalt  }
0x3e: {  	_ =	shalt  }
0x3f: {  	_ =	shalt  }
0x40: {  	_ =	shalt  }
0x41: {  	_ =	shalt  }
0x42: {  	_ =	shalt  }
0x43: {  	_ =	shalt  }
0x44: {  	_ =	shalt  }
0x45: {  	_ =	shalt  }
0x46: {  	_ =	shalt  }
0x47: {  	_ =	shalt  }
0x48: {  	_ =	shalt  }
0x49: {  	_ =	shalt  }
0x4a: {  	_ =	shalt  }
0x4b: {  	_ =	shalt  }
0x4c: {  	_ =	shalt  }
0x4d: {  	_ =	shalt  }
0x4e: {  	_ =	shalt  }
0x4f: {  	_ =	shalt  }
0x50: {  	_ =	shalt  }
0x51: {  	_ =	shalt  }
0x52: {  	_ =	shalt  }
0x53: {  	_ =	shalt  }
0x54: {  	_ =	shalt  }
0x55: {  	_ =	shalt  }
0x56: {  	_ =	shalt  }
0x57: {  	_ =	shalt  }
0x58: {  	_ =	shalt  }
0x59: {  	_ =	shalt  }
0x5a: {  	_ =	shalt  }
0x5b: {  	_ =	shalt  }
0x5c: {  	_ =	shalt  }
0x5d: {  	_ =	shalt  }
0x5e: {  	_ =	shalt  }
0x5f: {  	_ =	shalt  }
0x60: {  	_ =	shalt  }
0x61: {  	_ =	shalt  }
0x62: {  	_ =	shalt  }
0x63: {  	_ =	shalt  }
0x64: {  	_ =	shalt  }
0x65: {  	_ =	shalt  }
0x66: {  	_ =	shalt  }
0x67: {  	_ =	shalt  }
0x68: {  	_ =	shalt  }
0x69: {  	_ =	shalt  }
0x6a: {  	_ =	shalt  }
0x6b: {  	_ =	shalt  }
0x6c: {  	_ =	shalt  }
0x6d: {  	_ =	shalt  }
0x6e: {  	_ =	shalt  }
0x6f: {  	_ =	shalt  }
0x70: {  	_ =	shalt  }
0x71: {  	_ =	shalt  }
0x72: {  	_ =	shalt  }
0x73: {  	_ =	shalt  }
0x74: {  	_ =	shalt  }
0x75: {  	_ =	shalt  }
0x76: {  	_ =	shalt  }
0x77: {  	_ =	shalt  }
0x78: {  	_ =	shalt  }
0x79: {  	_ =	shalt  }
0x7a: {  	_ =	shalt  }
0x7b: {  	_ =	shalt  }
0x7c: {  	_ =	shalt  }
0x7d: {  	_ =	shalt  }
0x7e: {  	_ =	shalt  }
0x7f: {  	_ =	shalt  }
0x80: {  	_ =	shalt  }
0x81: {  	_ =	shalt  }
0x82: {  	_ =	shalt  }
0x83: {  	_ =	shalt  }
0x84: {  	_ =	shalt  }
0x85: {  	_ =	shalt  }
0x86: {  	_ =	shalt  }
0x87: {  	_ =	shalt  }
.Lfunc_end0:
.L_simem_size_0:
called_computation.1_lowered:
.L_overlay_start_0:
0x88: {  	s2 =	sld [smem:$0x3FD9]  }
0x89: {  	s3 =	sld [smem:$0x3FFE];
	_ =	sdelay $0x1  }
0x8a: {  	s1 =	srdreg.scid  }
0x8b: {  	s0 =	sand.u32 $0x1, s1  }
0x8c: {  	s17 =	sshll.u32 s0, $0xA;
	s2 =	sadd.s32 s3, s2  }
0x8d: {  	s2 =	sadd.s32 s2, s17  }
0x8e: {  	[smem:$0x3FC6] =	sst s2  }
0x8f: {  	_ = 	snop  }
0x90: {  	s2 =	sld [smem:$0x3FD0];
	(tm) =	ssettm $0x1  }
0x91: {  	s18 =	sld [smem:$0x3FFB];
	_ =	sdelay $0x3  }
0x92: {  	_ =	strace s18  }
0x93: {  	s3 =	sld [smem:$0x3FFC];
	_ =	sdelay $0x3  }
0x94: {  	_ =	strace s3  }
0x95: {  	s3 =	sld [smem:$0x3FFD];
	_ =	sdelay $0x3  }
0x96: {  	_ =	strace s3  }
0x97: {  	_ =	strace $0x8FFFFFFF  }
0x98: {  	s19 =	sld [smem:$0x3FDB];
	_ =	sdelay $0x1  }
0x99: {  	s4 =	simm.s32 $_scs_section_size  }
0x9a: {  	s5 =	simm.s32 $_size__tile_overlayer_lowered;
	s6 =	simm.s32 $_tile_overlayer_lowered  }
0x9b: {  	s22 =	simm.s32 $0x1BFF;
	s21 =	sshll.u32 s6, $0x1;
	s3 =	sadd.s32 s4, s19  }
0x9c: {  	s7 =	simm.s32 $0x0;
	s20 =	sshll.u32 s5, $0x1;
	s5 =	sadd.s32 s21, s3  }
0x9d: {  	[timem:s7], [sflag:s22] =	dma.local [hbm:s5], s20  }
0x9e: {  	_ =	swait.ge [sflag:s22], s20  }
0x9f: {  	s4 =	ssub.s32 $0x0, s20;
	[sflag:s22] =	ssyncset.done $0x0  }
0xa0: {  	[sflag:s22] =	ssyncadd.s32 s4;
	_ =	sdelay $0x1  }
0xa1: {  	s23 =	simm.s32 $0x1B8B  }
0xa2: {  	_ =	swait.ge [sflag:s23], $0x1  }
0xa3: {  	[sflag:s23] =	ssyncset.done $0x0  }
0xa4: {  	s25 =	simm.s32 $0x1B8E;
	s24 =	sld [smem:$0x3FFE];
	[sflag:s23] =	ssyncadd.s32 $0xFFFFFFFF  }
0xa5: {  	s26 =	simm.s32 $execute0_lowered;
	[smem:$0x3FD2] =	sst s25  }
0xa6: {  	s5 =	sshll.u32 s26, $0x1;
	_ =	strace $0x80000046;
	[dreg:$0x1] =	wrdreg $0xFFFFFFFF  }
0xa7: {  	s28 =	simm.s32 $_size_execute0_lowered;
	s3 =	sadd.s32 s3, s5;
	[dreg:$0x0] =	wrdreg $0x0  }
0xa8: {  	s5 =	sshll.u32 s28, $0x1;
	[dreg:$0x2] =	wrdreg s3  }
0xa9: {  	[dreg:$0x3] =	wrdreg s5  }
0xaa: {  	[dreg:$0x4] =	wrdreg $0xC0  }
0xab: {  	_ =	task [dreg:s7], $0x5FFFF  }
0xac: {  	[dreg:$0x1] =	wrdreg $0xFFFFFFFF  }
0xad: {  	[dreg:$0x0] =	wrdreg $0x60  }
0xae: {  	[dreg:$0x2] =	wrdreg s24  }
0xaf: {  	[dreg:$0x3] =	wrdreg s2  }
0xb0: {  	[dreg:$0x4] =	wrdreg $0x9  }
0xb1: {  	_ =	task.clear_ibuf [dreg:s7], $0x5FFFF;
	_ =	strace $0x90000046  }
0xb2: {  	s29 =	simm.s32 $0x9;
	_ =	strace $0x80000048  }
0xb3: {  	_ =	swait.ge [sflag:s29], $0x1  }
0xb4: {  	[sflag:s29] =	ssyncadd.s32 $0xFFFFFFFF  }
0xb5: {  	_ =	strace $0x90000048  }
0xb6: {  	_ =	sfence  }
0xb7: {  	s30 =	sld [smem:$0x0];
	_ =	sdelay $0x2  }
0xb8: {  	s31 =	sshll.u32 s1, $0xD;
	s1 =	sshrl.u32 s1, $0x2  }
0xb9: {  	s3 =	sand.u32 $0x4000, s31;
	s1 =	sadd.s32 s1, s30  }
0xba: {  	s0 =	sor.u32 s3, s0;
	s1 =	sshll.u32 s1, $0x11  }
0xbb: {  	s0 =	sor.u32 s1, s0  }
0xbc: {  	s0 =	sadd.s32 $0x8F2B, s0  }
0xbd: {  	[sflag:s0] =	ssyncadd.remote.s32 $0x1  }
0xbe: {  	_ =	sfence.sel $0xFFFF  }
0xbf: {  	[dreg:$0x0] =	wrdreg $0xFFFFFFFF;
	(pc) =	sbr.abs _section_cstart, $3  }
0xc0: {  	[dreg:$0x1] =	wrdreg $0xFFFFFFFF  }
0xc1: {  	_ =	task.clear_ibuf [dreg:s7], $0x2FFFF;
	_ =	strace $0x9FFFFFFF  }
0xc2: {  	(tm) =	ssettm $0x7FFFFFFF  }
0xc3: {  	_ =	shalt  }
tec
execute0_lowered:
.L_overlay_start_1:
0x0: {  	(tag) =	ssettag $0x1  }
0x1: {  	s3 =	rddreg [dreg:$0x0]  }
0x2: {  	s4 =	rddreg [dreg:$0x1];
	s2 =	simm.s32 $0x0  }
0x3: {  	s9 =	simm.s32 $0x100;
	[smem:$0x7FF] =	sst s2  }
0x4: {  	s10 =	simm.s32 $0x180;
	_ =	strace $0x80000047;
	[dreg:$0xd] =	wrdreg s9  }
0x5: {  	s11 =	simm.s32 $0x200;
	[dreg:$0xe] =	wrdreg s10  }
0x6: {  	s12 =	simm.s32 $0x280;
	[dreg:$0xf] =	wrdreg s11  }
0x7: {  	s13 =	simm.s32 $0x300;
	[dreg:$0x10] =	wrdreg s12  }
0x8: {  	s14 =	simm.s32 $0x380;
	[dreg:$0x11] =	wrdreg s13  }
0x9: {  	s15 =	simm.s32 $0x400;
	[dreg:$0x12] =	wrdreg s14  }
0xa: {  	s16 =	simm.s32 $0x480;
	[dreg:$0x13] =	wrdreg s15  }
0xb: {  	s0 =	srdreg.scid;
	s17 =	simm.s32 $0x500;
	[dreg:$0x14] =	wrdreg s16  }
0xc: {  	s19 =	stileid.u32;
	s18 =	simm.s32 $0x580;
	[dreg:$0x15] =	wrdreg s17  }
0xd: {  	s20 =	simm.s32 $0x600;
	s21 =	simm.s32 $0x680;
	[dreg:$0x16] =	wrdreg s18  }
0xe: {  	s1 =	sand.u32 $0x1, s0;
	s22 =	sshll.u32 s19, $0x1;
	[dreg:$0x17] =	wrdreg s20  }
0xf: {  	s0 =	sor.u32 s1, s22;
	[dreg:$0x18] =	wrdreg s21;
	s22 =	simm.s32 $0x700  }
0x10: {  	s9 =	simm.s32 $0xB80;
	[dreg:$0x19] =	wrdreg s22  }
0x11: {  	s31 =	simm.s32 $0x5;
	s10 =	simm.s32 $0xC00;
	[smem:$0x7ED] =	sst s9  }
0x12: {  	s28 =	simm.s32 $0x1500;
	s11 =	simm.s32 $0xC80;
	[smem:$0x7EE] =	sst s10  }
0x13: {  	s30 =	simm.s32 $0x1580;
	s12 =	simm.s32 $0xD00;
	[smem:$0x7EF] =	sst s11  }
0x14: {  	p0 =	por $0x0, $0x0;
	s13 =	simm.s32 $0xD80;
	[smem:$0x7F0] =	sst s12  }
0x15: {  	s1 =	ssub.s32 $0x2, s1;
	s14 =	simm.s32 $0xE00;
	[smem:$0x7F1] =	sst s13  }
0x16: {  	s15 =	simm.s32 $0xE80;
	s16 =	simm.s32 $0xF00;
	[smem:$0x7F2] =	sst s14  }
0x17: {  	s17 =	simm.s32 $0xF80;
	s18 =	simm.s32 $0x1000;
	[smem:$0x7F3] =	sst s15  }
0x18: {  	s20 =	simm.s32 $0x1080;
	s5 =	smul.u32 $0x320, s0;
	[smem:$0x7F4] =	sst s16  }
0x19: {  	s21 =	simm.s32 $0x1100;
	s6 =	smul.u32 $0x64000, s0;
	[smem:$0x7F5] =	sst s17  }
0x1a: {  	s0 =	smul.u32 $0xC800, s0;
	s10 =	simm.s32 $0x7900;
	[smem:$0x7F6] =	sst s18  }
0x1b: {  	s12 =	simm.s32 $0x9900;
	s9 =	simm.s32 $0xD900;
	[smem:$0x7F7] =	sst s20  }
0x1c: {  	[smem:$0x7F8] =	sst s21;
	s22 =	simm.s32 $0x1180;
	s5 =	sadd.s32 s5, s3  }
0x1d: {  	[smem:$0x7F9] =	sst s22;
	s29 =	sadd.s32 s4, s0;
	s5 =	sadd.s32 $0xA00, s5  }
0x1e: {  	s11 =	simm.s32 $0xF900;
	s24 =	sadd.s32 $0x1400, s29;
	[dreg:$0x3] =	wrdreg s5  }
0x1f: {  	s13 =	simm.s32 $0x11900;
	s25 =	sadd.s32 $0x2800, s29;
	[dreg:$0x5] =	wrdreg s24  }
0x20: {  	s6 =	sshrl.u32 s6, $0x3;
	s26 =	sadd.s32 $0x3C00, s29;
	[dreg:$0x6] =	wrdreg s25  }
0x21: {  	s6 =	sadd.s32 s4, s6;
	s4 =	sadd.s32 $0x5000, s29;
	[dreg:$0x7] =	wrdreg s26  }
0x22: {  	s14 =	simm.s32 $0x13900;
	s7 =	sadd.s32 $0x8C00, s29;
	[dreg:$0x8] =	wrdreg s4  }
0x23: {  	s18 =	simm.s32 $0x1;
	s8 =	sadd.s32 $0xA000, s29;
	[dreg:$0xb] =	wrdreg s7  }
0x24: {  	s17 =	simm.s32 $0x2;
	s23 =	sadd.s32 $0xB400, s6;
	[dreg:$0xc] =	wrdreg s8  }
0x25: {  	s15 =	simm.s32 $0x3;
	s5 =	sadd.s32 $0x6400, s29;
	[dreg:$0x4] =	wrdreg s23  }
0x26: {  	s16 =	simm.s32 $0x4;
	s6 =	sadd.s32 $0x7800, s29;
	[dreg:$0x9] =	wrdreg s5  }
0x27: {  	s20 =	simm.s32 $0x1680;
	s24 =	simm.s32 $0x800;
	[dreg:$0xa] =	wrdreg s6  }
0x28: {  	s21 =	simm.s32 $0x1700;
	s25 =	simm.s32 $0x880;
	[dreg:$0x1b] =	wrdreg s24  }
0x29: {  	s22 =	simm.s32 $0x1780;
	s26 =	simm.s32 $0x900;
	[dreg:$0x1c] =	wrdreg s25  }
0x2a: {  	s3 =	sadd.s32 $0xF42E00, s3;
	s4 =	simm.s32 $0x980;
	[dreg:$0x1d] =	wrdreg s26  }
0x2b: {  	s7 =	simm.s32 $0xA80;
	s8 =	simm.s32 $0xB00;
	[dreg:$0x1e] =	wrdreg s4  }
0x2c: {  	s23 =	simm.s32 $0x780;
	s5 =	simm.s32 $0xA00;
	[smem:$0x7EB] =	sst s7  }
0x2d: {  	s6 =	sshrl.u32 s1, $0x1;
	[smem:$0x7EC] =	sst s8;
	s4 =	simm.s32 $0x80  }
0x2e: {  	s7 =	simm.s32 $0x3900;
	s0 =	rddreg [dreg:$0x3];
	s1 =	ssub.s32 s1, s6  }
0x2f: {  	s8 =	simm.s32 $0x5900;
	[dreg:$0x1a] =	wrdreg s23;
	s1 =	smax.u32 s1, $0x1  }
0x30: {  	s24 =	simm.s32 $0x1280;
	[dreg:$0x1f] =	wrdreg s5;
	p1 =	sne.s32 s1, $0x1  }
.Ltmp0:
0x31: {  	s25 =	simm.s32 $0x1300;
	[smem:$0x7FB] =	sst s24;
	(pc) =	sbr.rel @!p1 .LBB2_1-.Ltmp0, $4  }
0x32: {  	s26 =	simm.s32 $0x1380;
	s5 =	simm.s32 $0x1900;
	[smem:$0x7FC] =	sst s25  }
0x33: {  	s6 =	simm.s32 $0xB900;
	s23 =	simm.s32 $0x1200;
	[smem:$0x7FD] =	sst s26  }
0x34: {  	s26 =	simm.s32 $0x1480;
	s25 =	simm.s32 $0x1600;
	s24 =	simm.s32 $0x1880  }
0x35: {  	[smem:$0x7FA] =	sst s23;
	s23 =	simm.s32 $0x1800;
	s1 =	sadd.s32 $0xFFFFFFFF, s1  }
0x36: {  	[tilespmem:s2], [sflag:$0x5] =	stream.linear.gather [hbm4b:s0+s2], $0x1900, $0x38;
	[tilespmem:$0x15900] =	vst v63  }
0x37: {  	_ =	swait.ge [sflag:s31], $0x1900  }
0x38: {  	[sflag:s31] =	ssyncset.done $0x0  }
0x39: {  	[sflag:s31] =	ssyncadd.s32 $0xFFFFE700  }
0x3a: {  	[tilespmem:s5], [sflag:$0x1] =	stream.indirect.gather [hbm4b:s3+s4], $0x40, s2, s4, $0xb8;
	[tilespmem:$0x15900] =	vst v63  }
0x3b: {  	_ = 	snop  }
0x3c: {  	[tilespmem:s7], [sflag:$0x1] =	stream.indirect.gather [hbm4b:s3+s4], $0x40, s4, s4, $0xb8;
	[tilespmem:$0x15900] =	vst v63  }
0x3d: {  	s0 =	rddreg [dreg:$0xd]  }
0x3e: {  	[tilespmem:s8], [sflag:$0x1] =	stream.indirect.gather [hbm4b:s3+s4], $0x40, s0, s4, $0xb8;
	[tilespmem:$0x15900] =	vst v63  }
0x3f: {  	s19 =	smov.u32 s1;
	s1 =	rddreg [dreg:$0xe]  }
0x40: {  	[tilespmem:s10], [sflag:$0x1] =	stream.indirect.gather [hbm4b:s3+s4], $0x40, s1, s4, $0xb8;
	[tilespmem:$0x15900] =	vst v63  }
0x41: {  	s0 =	rddreg [dreg:$0xf]  }
0x42: {  	[tilespmem:s12], [sflag:$0x1] =	stream.indirect.gather [hbm4b:s3+s4], $0x40, s0, s4, $0xb8;
	[tilespmem:$0x15900] =	vst v63  }
0x43: {  	s1 =	rddreg [dreg:$0x10]  }
0x44: {  	[tilespmem:s6], [sflag:$0x2] =	stream.indirect.gather [hbm4b:s3+s4], $0x40, s1, s4, $0xb8;
	[tilespmem:$0x15900] =	vst v63  }
0x45: {  	s0 =	rddreg [dreg:$0x11]  }
0x46: {  	[tilespmem:s9], [sflag:$0x2] =	stream.indirect.gather [hbm4b:s3+s4], $0x40, s0, s4, $0xb8;
	[tilespmem:$0x15900] =	vst v63  }
0x47: {  	s1 =	rddreg [dreg:$0x12]  }
0x48: {  	[tilespmem:s11], [sflag:$0x2] =	stream.indirect.gather [hbm4b:s3+s4], $0x40, s1, s4, $0xb8;
	[tilespmem:$0x15900] =	vst v63  }
0x49: {  	s0 =	rddreg [dreg:$0x13]  }
0x4a: {  	[tilespmem:s13], [sflag:$0x2] =	stream.indirect.gather [hbm4b:s3+s4], $0x40, s0, s4, $0xb8;
	[tilespmem:$0x15900] =	vst v63  }
0x4b: {  	s1 =	rddreg [dreg:$0x14]  }
0x4c: {  	[tilespmem:s14], [sflag:$0x2] =	stream.indirect.gather [hbm4b:s3+s4], $0x40, s1, s4, $0xb8;
	[tilespmem:$0x15900] =	vst v63  }
0x4d: {  	_ =	swait.ge [sflag:s18], $0xA000  }
0x4e: {  	[sflag:s18] =	ssyncset.done $0x0  }
0x4f: {  	[sflag:s18] =	ssyncadd.s32 $0xFFFF6000  }
0x50: {  	[hbm4b:s29+s2] =	stream.linear.scatter [tilespmem:s5], [sflag:$0x3], $0xA000, $0x38;
	[tilespmem:$0x15900] =	vst v63  }
0x51: {  	_ =	swait.ge [sflag:s17], $0xA000  }
0x52: {  	[sflag:s17] =	ssyncset.done $0x0  }
0x53: {  	s1 =	rddreg [dreg:$0x5];
	[sflag:s17] =	ssyncadd.s32 $0xFFFF6000  }
0x54: {  	[hbm4b:s1+s2] =	stream.linear.scatter [tilespmem:s6], [sflag:$0x4], $0xA000, $0x38;
	[tilespmem:$0x15900] =	vst v63  }
0x55: {  	_ =	swait.ge [sflag:s15], $0xA000  }
0x56: {  	[sflag:s15] =	ssyncset.done $0x0  }
0x57: {  	s0 =	rddreg [dreg:$0x15];
	[sflag:s15] =	ssyncadd.s32 $0xFFFF6000  }
0x58: {  	[tilespmem:s5], [sflag:$0x1] =	stream.indirect.gather [hbm4b:s3+s4], $0x40, s0, s4, $0xb8;
	[tilespmem:$0x15900] =	vst v63  }
0x59: {  	s1 =	rddreg [dreg:$0x16]  }
0x5a: {  	[tilespmem:s7], [sflag:$0x1] =	stream.indirect.gather [hbm4b:s3+s4], $0x40, s1, s4, $0xb8;
	[tilespmem:$0x15900] =	vst v63  }
0x5b: {  	s0 =	rddreg [dreg:$0x17]  }
0x5c: {  	[tilespmem:s8], [sflag:$0x1] =	stream.indirect.gather [hbm4b:s3+s4], $0x40, s0, s4, $0xb8;
	[tilespmem:$0x15900] =	vst v63  }
0x5d: {  	s1 =	rddreg [dreg:$0x18]  }
0x5e: {  	[tilespmem:s10], [sflag:$0x1] =	stream.indirect.gather [hbm4b:s3+s4], $0x40, s1, s4, $0xb8;
	[tilespmem:$0x15900] =	vst v63  }
0x5f: {  	s0 =	rddreg [dreg:$0x19]  }
0x60: {  	[tilespmem:s12], [sflag:$0x1] =	stream.indirect.gather [hbm4b:s3+s4], $0x40, s0, s4, $0xb8;
	[tilespmem:$0x15900] =	vst v63  }
0x61: {  	_ =	swait.ge [sflag:s18], $0xA000  }
0x62: {  	[sflag:s18] =	ssyncset.done $0x0  }
0x63: {  	s1 =	rddreg [dreg:$0x6];
	[sflag:s18] =	ssyncadd.s32 $0xFFFF6000  }
0x64: {  	[hbm4b:s1+s2] =	stream.linear.scatter [tilespmem:s5], [sflag:$0x3], $0xA000, $0x38;
	[tilespmem:$0x15900] =	vst v63  }
0x65: {  	_ =	swait.ge [sflag:s16], $0xA000  }
0x66: {  	[sflag:s16] =	ssyncset.done $0x0  }
0x67: {  	s0 =	rddreg [dreg:$0x1a];
	[sflag:s16] =	ssyncadd.s32 $0xFFFF6000  }
0x68: {  	[tilespmem:s6], [sflag:$0x2] =	stream.indirect.gather [hbm4b:s3+s4], $0x40, s0, s4, $0xb8;
	[tilespmem:$0x15900] =	vst v63  }
0x69: {  	s1 =	rddreg [dreg:$0x1b]  }
0x6a: {  	[tilespmem:s9], [sflag:$0x2] =	stream.indirect.gather [hbm4b:s3+s4], $0x40, s1, s4, $0xb8;
	[tilespmem:$0x15900] =	vst v63  }
0x6b: {  	s0 =	rddreg [dreg:$0x1c]  }
0x6c: {  	[tilespmem:s11], [sflag:$0x2] =	stream.indirect.gather [hbm4b:s3+s4], $0x40, s0, s4, $0xb8;
	[tilespmem:$0x15900] =	vst v63  }
0x6d: {  	s1 =	rddreg [dreg:$0x1d]  }
0x6e: {  	[tilespmem:s13], [sflag:$0x2] =	stream.indirect.gather [hbm4b:s3+s4], $0x40, s1, s4, $0xb8;
	[tilespmem:$0x15900] =	vst v63  }
0x6f: {  	s0 =	rddreg [dreg:$0x1e]  }
0x70: {  	[tilespmem:s14], [sflag:$0x2] =	stream.indirect.gather [hbm4b:s3+s4], $0x40, s0, s4, $0xb8;
	[tilespmem:$0x15900] =	vst v63  }
0x71: {  	_ =	swait.ge [sflag:s17], $0xA000  }
0x72: {  	[sflag:s17] =	ssyncset.done $0x0  }
0x73: {  	s1 =	rddreg [dreg:$0x7];
	[sflag:s17] =	ssyncadd.s32 $0xFFFF6000  }
0x74: {  	[hbm4b:s1+s2] =	stream.linear.scatter [tilespmem:s6], [sflag:$0x4], $0xA000, $0x38;
	[tilespmem:$0x15900] =	vst v63  }
0x75: {  	_ =	swait.ge [sflag:s15], $0xA000  }
0x76: {  	s0 =	rddreg [dreg:$0x1f];
	[sflag:s15] =	ssyncset.done $0x0  }
0x77: {  	s1 =	sld [smem:$0x7EB];
	[sflag:s15] =	ssyncadd.s32 $0xFFFF6000  }
0x78: {  	[tilespmem:s5], [sflag:$0x1] =	stream.indirect.gather [hbm4b:s3+s4], $0x40, s0, s4, $0xb8;
	[tilespmem:$0x15900] =	vst v63  }
0x79: {  	s0 =	sld [smem:$0x7EC]  }
0x7a: {  	[tilespmem:s7], [sflag:$0x1] =	stream.indirect.gather [hbm4b:s3+s4], $0x40, s1, s4, $0xb8;
	[tilespmem:$0x15900] =	vst v63  }
0x7b: {  	s1 =	sld [smem:$0x7ED]  }
0x7c: {  	[tilespmem:s8], [sflag:$0x1] =	stream.indirect.gather [hbm4b:s3+s4], $0x40, s0, s4, $0xb8;
	[tilespmem:$0x15900] =	vst v63  }
0x7d: {  	s0 =	sld [smem:$0x7EE]  }
0x7e: {  	[tilespmem:s10], [sflag:$0x1] =	stream.indirect.gather [hbm4b:s3+s4], $0x40, s1, s4, $0xb8;
	[tilespmem:$0x15900] =	vst v63  }
0x7f: {  	_ = 	snop  }
0x80: {  	[tilespmem:s12], [sflag:$0x1] =	stream.indirect.gather [hbm4b:s3+s4], $0x40, s0, s4, $0xb8;
	[tilespmem:$0x15900] =	vst v63  }
0x81: {  	_ =	swait.ge [sflag:s18], $0xA000  }
0x82: {  	[sflag:s18] =	ssyncset.done $0x0  }
0x83: {  	s1 =	rddreg [dreg:$0x8];
	[sflag:s18] =	ssyncadd.s32 $0xFFFF6000  }
0x84: {  	[hbm4b:s1+s2] =	stream.linear.scatter [tilespmem:s5], [sflag:$0x3], $0xA000, $0x38;
	[tilespmem:$0x15900] =	vst v63  }
0x85: {  	_ =	swait.ge [sflag:s16], $0xA000  }
0x86: {  	s0 =	sld [smem:$0x7EF]  }
0x87: {  	[sflag:s16] =	ssyncset.done $0x0  }
0x88: {  	s1 =	sld [smem:$0x7F0];
	[sflag:s16] =	ssyncadd.s32 $0xFFFF6000  }
0x89: {  	[tilespmem:s6], [sflag:$0x2] =	stream.indirect.gather [hbm4b:s3+s4], $0x40, s0, s4, $0xb8;
	[tilespmem:$0x15900] =	vst v63  }
0x8a: {  	s0 =	sld [smem:$0x7F1]  }
0x8b: {  	[tilespmem:s9], [sflag:$0x2] =	stream.indirect.gather [hbm4b:s3+s4], $0x40, s1, s4, $0xb8;
	[tilespmem:$0x15900] =	vst v63  }
0x8c: {  	s1 =	sld [smem:$0x7F2]  }
0x8d: {  	[tilespmem:s11], [sflag:$0x2] =	stream.indirect.gather [hbm4b:s3+s4], $0x40, s0, s4, $0xb8;
	[tilespmem:$0x15900] =	vst v63  }
0x8e: {  	s0 =	sld [smem:$0x7F3]  }
0x8f: {  	[tilespmem:s13], [sflag:$0x2] =	stream.indirect.gather [hbm4b:s3+s4], $0x40, s1, s4, $0xb8;
	[tilespmem:$0x15900] =	vst v63  }
0x90: {  	_ = 	snop  }
0x91: {  	[tilespmem:s14], [sflag:$0x2] =	stream.indirect.gather [hbm4b:s3+s4], $0x40, s0, s4, $0xb8;
	[tilespmem:$0x15900] =	vst v63  }
0x92: {  	_ =	swait.ge [sflag:s17], $0xA000  }
0x93: {  	[sflag:s17] =	ssyncset.done $0x0  }
0x94: {  	s1 =	rddreg [dreg:$0x9];
	[sflag:s17] =	ssyncadd.s32 $0xFFFF6000  }
0x95: {  	[hbm4b:s1+s2] =	stream.linear.scatter [tilespmem:s6], [sflag:$0x4], $0xA000, $0x38;
	[tilespmem:$0x15900] =	vst v63  }
0x96: {  	_ =	swait.ge [sflag:s15], $0xA000  }
0x97: {  	s0 =	sld [smem:$0x7F4]  }
0x98: {  	[sflag:s15] =	ssyncset.done $0x0  }
0x99: {  	s1 =	sld [smem:$0x7F5];
	[sflag:s15] =	ssyncadd.s32 $0xFFFF6000  }
0x9a: {  	[tilespmem:s5], [sflag:$0x1] =	stream.indirect.gather [hbm4b:s3+s4], $0x40, s0, s4, $0xb8;
	[tilespmem:$0x15900] =	vst v63  }
0x9b: {  	s0 =	sld [smem:$0x7F6]  }
0x9c: {  	[tilespmem:s7], [sflag:$0x1] =	stream.indirect.gather [hbm4b:s3+s4], $0x40, s1, s4, $0xb8;
	[tilespmem:$0x15900] =	vst v63  }
0x9d: {  	s1 =	sld [smem:$0x7F7]  }
0x9e: {  	[tilespmem:s8], [sflag:$0x1] =	stream.indirect.gather [hbm4b:s3+s4], $0x40, s0, s4, $0xb8;
	[tilespmem:$0x15900] =	vst v63  }
0x9f: {  	s0 =	sld [smem:$0x7F8]  }
0xa0: {  	[tilespmem:s10], [sflag:$0x1] =	stream.indirect.gather [hbm4b:s3+s4], $0x40, s1, s4, $0xb8;
	[tilespmem:$0x15900] =	vst v63  }
0xa1: {  	_ = 	snop  }
0xa2: {  	[tilespmem:s12], [sflag:$0x1] =	stream.indirect.gather [hbm4b:s3+s4], $0x40, s0, s4, $0xb8;
	[tilespmem:$0x15900] =	vst v63  }
0xa3: {  	_ =	swait.ge [sflag:s18], $0xA000  }
0xa4: {  	[sflag:s18] =	ssyncset.done $0x0  }
0xa5: {  	s1 =	rddreg [dreg:$0xa];
	[sflag:s18] =	ssyncadd.s32 $0xFFFF6000  }
0xa6: {  	[hbm4b:s1+s2] =	stream.linear.scatter [tilespmem:s5], [sflag:$0x3], $0xA000, $0x38;
	[tilespmem:$0x15900] =	vst v63  }
0xa7: {  	_ =	swait.ge [sflag:s16], $0xA000  }
0xa8: {  	s0 =	sld [smem:$0x7F9]  }
0xa9: {  	[sflag:s16] =	ssyncset.done $0x0  }
0xaa: {  	s1 =	sld [smem:$0x7FA];
	[sflag:s16] =	ssyncadd.s32 $0xFFFF6000  }
0xab: {  	[tilespmem:s6], [sflag:$0x2] =	stream.indirect.gather [hbm4b:s3+s4], $0x40, s0, s4, $0xb8;
	[tilespmem:$0x15900] =	vst v63  }
0xac: {  	s0 =	sld [smem:$0x7FB]  }
0xad: {  	[tilespmem:s9], [sflag:$0x2] =	stream.indirect.gather [hbm4b:s3+s4], $0x40, s1, s4, $0xb8;
	[tilespmem:$0x15900] =	vst v63  }
0xae: {  	s1 =	sld [smem:$0x7FC]  }
0xaf: {  	[tilespmem:s11], [sflag:$0x2] =	stream.indirect.gather [hbm4b:s3+s4], $0x40, s0, s4, $0xb8;
	[tilespmem:$0x15900] =	vst v63  }
0xb0: {  	s0 =	sld [smem:$0x7FD]  }
0xb1: {  	[tilespmem:s13], [sflag:$0x2] =	stream.indirect.gather [hbm4b:s3+s4], $0x40, s1, s4, $0xb8;
	[tilespmem:$0x15900] =	vst v63  }
0xb2: {  	_ = 	snop  }
0xb3: {  	[tilespmem:s14], [sflag:$0x2] =	stream.indirect.gather [hbm4b:s3+s4], $0x40, s0, s4, $0xb8;
	[tilespmem:$0x15900] =	vst v63  }
0xb4: {  	_ =	swait.ge [sflag:s17], $0xA000  }
0xb5: {  	[sflag:s17] =	ssyncset.done $0x0  }
0xb6: {  	s1 =	rddreg [dreg:$0xb];
	[sflag:s17] =	ssyncadd.s32 $0xFFFF6000  }
0xb7: {  	[hbm4b:s1+s2] =	stream.linear.scatter [tilespmem:s6], [sflag:$0x4], $0xA000, $0x38;
	[tilespmem:$0x15900] =	vst v63  }
0xb8: {  	_ =	swait.ge [sflag:s15], $0xA000  }
0xb9: {  	[sflag:s15] =	ssyncset.done $0x0  }
0xba: {  	s1 =	simm.s32 $0x1400;
	[sflag:s15] =	ssyncadd.s32 $0xFFFF6000  }
0xbb: {  	[tilespmem:s5], [sflag:$0x1] =	stream.indirect.gather [hbm4b:s3+s4], $0x40, s1, s4, $0xb8;
	[tilespmem:$0x15900] =	vst v63  }
0xbc: {  	_ = 	snop  }
0xbd: {  	[tilespmem:s7], [sflag:$0x1] =	stream.indirect.gather [hbm4b:s3+s4], $0x40, s26, s4, $0xb8;
	[tilespmem:$0x15900] =	vst v63  }
0xbe: {  	_ = 	snop  }
0xbf: {  	[tilespmem:s8], [sflag:$0x1] =	stream.indirect.gather [hbm4b:s3+s4], $0x40, s28, s4, $0xb8;
	[tilespmem:$0x15900] =	vst v63  }
0xc0: {  	_ = 	snop  }
0xc1: {  	[tilespmem:s10], [sflag:$0x1] =	stream.indirect.gather [hbm4b:s3+s4], $0x40, s30, s4, $0xb8;
	[tilespmem:$0x15900] =	vst v63  }
0xc2: {  	_ = 	snop  }
0xc3: {  	[tilespmem:s12], [sflag:$0x1] =	stream.indirect.gather [hbm4b:s3+s4], $0x40, s25, s4, $0xb8;
	[tilespmem:$0x15900] =	vst v63  }
0xc4: {  	_ =	swait.ge [sflag:s18], $0xA000  }
0xc5: {  	[sflag:s18] =	ssyncset.done $0x0  }
0xc6: {  	s1 =	rddreg [dreg:$0xc];
	[sflag:s18] =	ssyncadd.s32 $0xFFFF6000  }
0xc7: {  	[hbm4b:s1+s2] =	stream.linear.scatter [tilespmem:s5], [sflag:$0x3], $0xA000, $0x38;
	[tilespmem:$0x15900] =	vst v63  }
0xc8: {  	_ =	swait.ge [sflag:s16], $0xA000  }
0xc9: {  	[sflag:s16] =	ssyncset.done $0x0  }
0xca: {  	[sflag:s16] =	ssyncadd.s32 $0xFFFF6000  }
0xcb: {  	[tilespmem:s6], [sflag:$0x2] =	stream.indirect.gather [hbm4b:s3+s4], $0x40, s20, s4, $0xb8;
	[tilespmem:$0x15900] =	vst v63  }
0xcc: {  	_ = 	snop  }
0xcd: {  	[tilespmem:s9], [sflag:$0x2] =	stream.indirect.gather [hbm4b:s3+s4], $0x40, s21, s4, $0xb8;
	[tilespmem:$0x15900] =	vst v63  }
0xce: {  	_ = 	snop  }
0xcf: {  	[tilespmem:s11], [sflag:$0x2] =	stream.indirect.gather [hbm4b:s3+s4], $0x40, s22, s4, $0xb8;
	[tilespmem:$0x15900] =	vst v63  }
0xd0: {  	_ = 	snop  }
0xd1: {  	[tilespmem:s13], [sflag:$0x2] =	stream.indirect.gather [hbm4b:s3+s4], $0x40, s23, s4, $0xb8;
	[tilespmem:$0x15900] =	vst v63  }
0xd2: {  	_ = 	snop  }
0xd3: {  	[tilespmem:s14], [sflag:$0x2] =	stream.indirect.gather [hbm4b:s3+s4], $0x40, s24, s4, $0xb8;
	[tilespmem:$0x15900] =	vst v63  }
0xd4: {  	_ =	swait.ge [sflag:s17], $0xA000  }
0xd5: {  	[sflag:s17] =	ssyncset.done $0x0  }
0xd6: {  	p1 =	sne.s32 s19, $0x1;
	s1 =	rddreg [dreg:$0x4];
	[sflag:s17] =	ssyncadd.s32 $0xFFFF6000  }
0xd7: {  	[hbm4b:s1+s2] =	stream.linear.scatter [tilespmem:s6], [sflag:$0x4], $0xA000, $0x38;
	[tilespmem:$0x15900] =	vst v63  }
.Ltmp1:
0xd8: {  	_ =	swait.ge [sflag:s15], $0xA000;
	(pc) =	sbr.rel @!p1 .LBB2_3-.Ltmp1, $4  }
0xd9: {  	[sflag:s15] =	ssyncset.done $0x0  }
0xda: {  	[sflag:s15] =	ssyncadd.s32 $0xFFFF6000  }
0xdb: {  	p0 =	por $0x1, $0x1;
	_ =	swait.ge [sflag:s16], $0xA000  }
0xdc: {  	s1 =	sadd.s32 $0xFFFFFFFF, s19;
	s0 =	rddreg [dreg:$0x3];
	[sflag:s16] =	ssyncset.done $0x0  }
.LBB2_4:
0xdd: {  	[sflag:s16] =	ssyncadd.s32 $0xFFFF6000  }
0xde: {  	[tilespmem:s2], [sflag:$0x5] =	stream.linear.gather [hbm4b:s0+s2], $0x1900, $0x38;
	[tilespmem:$0x15900] =	vst v63  }
0xdf: {  	_ =	swait.ge [sflag:s31], $0x1900  }
0xe0: {  	[sflag:s31] =	ssyncset.done $0x0  }
0xe1: {  	[sflag:s31] =	ssyncadd.s32 $0xFFFFE700  }
0xe2: {  	[tilespmem:s5], [sflag:$0x1] =	stream.indirect.gather [hbm4b:s3+s4], $0x40, s2, s4, $0xb8;
	[tilespmem:$0x15900] =	vst v63  }
0xe3: {  	_ = 	snop  }
0xe4: {  	[tilespmem:s7], [sflag:$0x1] =	stream.indirect.gather [hbm4b:s3+s4], $0x40, s4, s4, $0xb8;
	[tilespmem:$0x15900] =	vst v63  }
0xe5: {  	s0 =	rddreg [dreg:$0xd]  }
0xe6: {  	[tilespmem:s8], [sflag:$0x1] =	stream.indirect.gather [hbm4b:s3+s4], $0x40, s0, s4, $0xb8;
	[tilespmem:$0x15900] =	vst v63  }
0xe7: {  	s19 =	rddreg [dreg:$0xe]  }
0xe8: {  	[tilespmem:s10], [sflag:$0x1] =	stream.indirect.gather [hbm4b:s3+s4], $0x40, s19, s4, $0xb8;
	[tilespmem:$0x15900] =	vst v63  }
0xe9: {  	s0 =	rddreg [dreg:$0xf]  }
0xea: {  	[tilespmem:s12], [sflag:$0x1] =	stream.indirect.gather [hbm4b:s3+s4], $0x40, s0, s4, $0xb8;
	[tilespmem:$0x15900] =	vst v63  }
0xeb: {  	s19 =	rddreg [dreg:$0x10]  }
0xec: {  	[tilespmem:s6], [sflag:$0x2] =	stream.indirect.gather [hbm4b:s3+s4], $0x40, s19, s4, $0xb8;
	[tilespmem:$0x15900] =	vst v63  }
0xed: {  	s0 =	rddreg [dreg:$0x11]  }
0xee: {  	[tilespmem:s9], [sflag:$0x2] =	stream.indirect.gather [hbm4b:s3+s4], $0x40, s0, s4, $0xb8;
	[tilespmem:$0x15900] =	vst v63  }
0xef: {  	s19 =	rddreg [dreg:$0x12]  }
0xf0: {  	[tilespmem:s11], [sflag:$0x2] =	stream.indirect.gather [hbm4b:s3+s4], $0x40, s19, s4, $0xb8;
	[tilespmem:$0x15900] =	vst v63  }
0xf1: {  	s0 =	rddreg [dreg:$0x13]  }
0xf2: {  	[tilespmem:s13], [sflag:$0x2] =	stream.indirect.gather [hbm4b:s3+s4], $0x40, s0, s4, $0xb8;
	[tilespmem:$0x15900] =	vst v63  }
0xf3: {  	s19 =	rddreg [dreg:$0x14]  }
0xf4: {  	[tilespmem:s14], [sflag:$0x2] =	stream.indirect.gather [hbm4b:s3+s4], $0x40, s19, s4, $0xb8;
	[tilespmem:$0x15900] =	vst v63  }
0xf5: {  	_ =	swait.ge [sflag:s18], $0xA000  }
0xf6: {  	[sflag:s18] =	ssyncset.done $0x0  }
0xf7: {  	[sflag:s18] =	ssyncadd.s32 $0xFFFF6000  }
0xf8: {  	[hbm4b:s29+s2] =	stream.linear.scatter [tilespmem:s5], [sflag:$0x3], $0xA000, $0x38;
	[tilespmem:$0x15900] =	vst v63  }
0xf9: {  	_ =	swait.ge [sflag:s17], $0xA000  }
0xfa: {  	[sflag:s17] =	ssyncset.done $0x0  }
0xfb: {  	s19 =	rddreg [dreg:$0x5];
	[sflag:s17] =	ssyncadd.s32 $0xFFFF6000  }
0xfc: {  	[hbm4b:s19+s2] =	stream.linear.scatter [tilespmem:s6], [sflag:$0x4], $0xA000, $0x38;
	[tilespmem:$0x15900] =	vst v63  }
0xfd: {  	_ =	swait.ge [sflag:s15], $0xA000  }
0xfe: {  	[sflag:s15] =	ssyncset.done $0x0  }
0xff: {  	s0 =	rddreg [dreg:$0x15];
	[sflag:s15] =	ssyncadd.s32 $0xFFFF6000  }
0x100: {  	[tilespmem:s5], [sflag:$0x1] =	stream.indirect.gather [hbm4b:s3+s4], $0x40, s0, s4, $0xb8;
	[tilespmem:$0x15900] =	vst v63  }
0x101: {  	s19 =	rddreg [dreg:$0x16]  }
0x102: {  	[tilespmem:s7], [sflag:$0x1] =	stream.indirect.gather [hbm4b:s3+s4], $0x40, s19, s4, $0xb8;
	[tilespmem:$0x15900] =	vst v63  }
0x103: {  	s0 =	rddreg [dreg:$0x17]  }
0x104: {  	[tilespmem:s8], [sflag:$0x1] =	stream.indirect.gather [hbm4b:s3+s4], $0x40, s0, s4, $0xb8;
	[tilespmem:$0x15900] =	vst v63  }
0x105: {  	s19 =	rddreg [dreg:$0x18]  }
0x106: {  	[tilespmem:s10], [sflag:$0x1] =	stream.indirect.gather [hbm4b:s3+s4], $0x40, s19, s4, $0xb8;
	[tilespmem:$0x15900] =	vst v63  }
0x107: {  	s0 =	rddreg [dreg:$0x19]  }
0x108: {  	[tilespmem:s12], [sflag:$0x1] =	stream.indirect.gather [hbm4b:s3+s4], $0x40, s0, s4, $0xb8;
	[tilespmem:$0x15900] =	vst v63  }
0x109: {  	_ =	swait.ge [sflag:s18], $0xA000  }
0x10a: {  	[sflag:s18] =	ssyncset.done $0x0  }
0x10b: {  	s19 =	rddreg [dreg:$0x6];
	[sflag:s18] =	ssyncadd.s32 $0xFFFF6000  }
0x10c: {  	[hbm4b:s19+s2] =	stream.linear.scatter [tilespmem:s5], [sflag:$0x3], $0xA000, $0x38;
	[tilespmem:$0x15900] =	vst v63  }
0x10d: {  	_ =	swait.ge [sflag:s16], $0xA000  }
0x10e: {  	[sflag:s16] =	ssyncset.done $0x0  }
0x10f: {  	s0 =	rddreg [dreg:$0x1a];
	[sflag:s16] =	ssyncadd.s32 $0xFFFF6000  }
0x110: {  	[tilespmem:s6], [sflag:$0x2] =	stream.indirect.gather [hbm4b:s3+s4], $0x40, s0, s4, $0xb8;
	[tilespmem:$0x15900] =	vst v63  }
0x111: {  	s19 =	rddreg [dreg:$0x1b]  }
0x112: {  	[tilespmem:s9], [sflag:$0x2] =	stream.indirect.gather [hbm4b:s3+s4], $0x40, s19, s4, $0xb8;
	[tilespmem:$0x15900] =	vst v63  }
0x113: {  	s0 =	rddreg [dreg:$0x1c]  }
0x114: {  	[tilespmem:s11], [sflag:$0x2] =	stream.indirect.gather [hbm4b:s3+s4], $0x40, s0, s4, $0xb8;
	[tilespmem:$0x15900] =	vst v63  }
0x115: {  	s19 =	rddreg [dreg:$0x1d]  }
0x116: {  	[tilespmem:s13], [sflag:$0x2] =	stream.indirect.gather [hbm4b:s3+s4], $0x40, s19, s4, $0xb8;
	[tilespmem:$0x15900] =	vst v63  }
0x117: {  	s0 =	rddreg [dreg:$0x1e]  }
0x118: {  	[tilespmem:s14], [sflag:$0x2] =	stream.indirect.gather [hbm4b:s3+s4], $0x40, s0, s4, $0xb8;
	[tilespmem:$0x15900] =	vst v63  }
0x119: {  	_ =	swait.ge [sflag:s17], $0xA000  }
0x11a: {  	[sflag:s17] =	ssyncset.done $0x0  }
0x11b: {  	s19 =	rddreg [dreg:$0x7];
	[sflag:s17] =	ssyncadd.s32 $0xFFFF6000  }
0x11c: {  	[hbm4b:s19+s2] =	stream.linear.scatter [tilespmem:s6], [sflag:$0x4], $0xA000, $0x38;
	[tilespmem:$0x15900] =	vst v63  }
0x11d: {  	_ =	swait.ge [sflag:s15], $0xA000  }
0x11e: {  	s0 =	rddreg [dreg:$0x1f];
	[sflag:s15] =	ssyncset.done $0x0  }
0x11f: {  	s19 =	sld [smem:$0x7EB];
	[sflag:s15] =	ssyncadd.s32 $0xFFFF6000  }
0x120: {  	[tilespmem:s5], [sflag:$0x1] =	stream.indirect.gather [hbm4b:s3+s4], $0x40, s0, s4, $0xb8;
	[tilespmem:$0x15900] =	vst v63  }
0x121: {  	s0 =	sld [smem:$0x7EC]  }
0x122: {  	[tilespmem:s7], [sflag:$0x1] =	stream.indirect.gather [hbm4b:s3+s4], $0x40, s19, s4, $0xb8;
	[tilespmem:$0x15900] =	vst v63  }
0x123: {  	s19 =	sld [smem:$0x7ED]  }
0x124: {  	[tilespmem:s8], [sflag:$0x1] =	stream.indirect.gather [hbm4b:s3+s4], $0x40, s0, s4, $0xb8;
	[tilespmem:$0x15900] =	vst v63  }
0x125: {  	s0 =	sld [smem:$0x7EE]  }
0x126: {  	[tilespmem:s10], [sflag:$0x1] =	stream.indirect.gather [hbm4b:s3+s4], $0x40, s19, s4, $0xb8;
	[tilespmem:$0x15900] =	vst v63  }
0x127: {  	_ = 	snop  }
0x128: {  	[tilespmem:s12], [sflag:$0x1] =	stream.indirect.gather [hbm4b:s3+s4], $0x40, s0, s4, $0xb8;
	[tilespmem:$0x15900] =	vst v63  }
0x129: {  	_ =	swait.ge [sflag:s18], $0xA000  }
0x12a: {  	[sflag:s18] =	ssyncset.done $0x0  }
0x12b: {  	s19 =	rddreg [dreg:$0x8];
	[sflag:s18] =	ssyncadd.s32 $0xFFFF6000  }
0x12c: {  	[hbm4b:s19+s2] =	stream.linear.scatter [tilespmem:s5], [sflag:$0x3], $0xA000, $0x38;
	[tilespmem:$0x15900] =	vst v63  }
0x12d: {  	_ =	swait.ge [sflag:s16], $0xA000  }
0x12e: {  	s0 =	sld [smem:$0x7EF]  }
0x12f: {  	[sflag:s16] =	ssyncset.done $0x0  }
0x130: {  	s19 =	sld [smem:$0x7F0];
	[sflag:s16] =	ssyncadd.s32 $0xFFFF6000  }
0x131: {  	[tilespmem:s6], [sflag:$0x2] =	stream.indirect.gather [hbm4b:s3+s4], $0x40, s0, s4, $0xb8;
	[tilespmem:$0x15900] =	vst v63  }
0x132: {  	s0 =	sld [smem:$0x7F1]  }
0x133: {  	[tilespmem:s9], [sflag:$0x2] =	stream.indirect.gather [hbm4b:s3+s4], $0x40, s19, s4, $0xb8;
	[tilespmem:$0x15900] =	vst v63  }
0x134: {  	s19 =	sld [smem:$0x7F2]  }
0x135: {  	[tilespmem:s11], [sflag:$0x2] =	stream.indirect.gather [hbm4b:s3+s4], $0x40, s0, s4, $0xb8;
	[tilespmem:$0x15900] =	vst v63  }
0x136: {  	s0 =	sld [smem:$0x7F3]  }
0x137: {  	[tilespmem:s13], [sflag:$0x2] =	stream.indirect.gather [hbm4b:s3+s4], $0x40, s19, s4, $0xb8;
	[tilespmem:$0x15900] =	vst v63  }
0x138: {  	_ = 	snop  }
0x139: {  	[tilespmem:s14], [sflag:$0x2] =	stream.indirect.gather [hbm4b:s3+s4], $0x40, s0, s4, $0xb8;
	[tilespmem:$0x15900] =	vst v63  }
0x13a: {  	_ =	swait.ge [sflag:s17], $0xA000  }
0x13b: {  	[sflag:s17] =	ssyncset.done $0x0  }
0x13c: {  	s19 =	rddreg [dreg:$0x9];
	[sflag:s17] =	ssyncadd.s32 $0xFFFF6000  }
0x13d: {  	[hbm4b:s19+s2] =	stream.linear.scatter [tilespmem:s6], [sflag:$0x4], $0xA000, $0x38;
	[tilespmem:$0x15900] =	vst v63  }
0x13e: {  	_ =	swait.ge [sflag:s15], $0xA000  }
0x13f: {  	s0 =	sld [smem:$0x7F4]  }
0x140: {  	[sflag:s15] =	ssyncset.done $0x0  }
0x141: {  	s19 =	sld [smem:$0x7F5];
	[sflag:s15] =	ssyncadd.s32 $0xFFFF6000  }
0x142: {  	[tilespmem:s5], [sflag:$0x1] =	stream.indirect.gather [hbm4b:s3+s4], $0x40, s0, s4, $0xb8;
	[tilespmem:$0x15900] =	vst v63  }
0x143: {  	s0 =	sld [smem:$0x7F6]  }
0x144: {  	[tilespmem:s7], [sflag:$0x1] =	stream.indirect.gather [hbm4b:s3+s4], $0x40, s19, s4, $0xb8;
	[tilespmem:$0x15900] =	vst v63  }
0x145: {  	s19 =	sld [smem:$0x7F7]  }
0x146: {  	[tilespmem:s8], [sflag:$0x1] =	stream.indirect.gather [hbm4b:s3+s4], $0x40, s0, s4, $0xb8;
	[tilespmem:$0x15900] =	vst v63  }
0x147: {  	s0 =	sld [smem:$0x7F8]  }
0x148: {  	[tilespmem:s10], [sflag:$0x1] =	stream.indirect.gather [hbm4b:s3+s4], $0x40, s19, s4, $0xb8;
	[tilespmem:$0x15900] =	vst v63  }
0x149: {  	_ = 	snop  }
0x14a: {  	[tilespmem:s12], [sflag:$0x1] =	stream.indirect.gather [hbm4b:s3+s4], $0x40, s0, s4, $0xb8;
	[tilespmem:$0x15900] =	vst v63  }
0x14b: {  	_ =	swait.ge [sflag:s18], $0xA000  }
0x14c: {  	[sflag:s18] =	ssyncset.done $0x0  }
0x14d: {  	s19 =	rddreg [dreg:$0xa];
	[sflag:s18] =	ssyncadd.s32 $0xFFFF6000  }
0x14e: {  	[hbm4b:s19+s2] =	stream.linear.scatter [tilespmem:s5], [sflag:$0x3], $0xA000, $0x38;
	[tilespmem:$0x15900] =	vst v63  }
0x14f: {  	_ =	swait.ge [sflag:s16], $0xA000  }
0x150: {  	s0 =	sld [smem:$0x7F9]  }
0x151: {  	[sflag:s16] =	ssyncset.done $0x0  }
0x152: {  	s19 =	sld [smem:$0x7FA];
	[sflag:s16] =	ssyncadd.s32 $0xFFFF6000  }
0x153: {  	[tilespmem:s6], [sflag:$0x2] =	stream.indirect.gather [hbm4b:s3+s4], $0x40, s0, s4, $0xb8;
	[tilespmem:$0x15900] =	vst v63  }
0x154: {  	s0 =	sld [smem:$0x7FB]  }
0x155: {  	[tilespmem:s9], [sflag:$0x2] =	stream.indirect.gather [hbm4b:s3+s4], $0x40, s19, s4, $0xb8;
	[tilespmem:$0x15900] =	vst v63  }
0x156: {  	s19 =	sld [smem:$0x7FC]  }
0x157: {  	[tilespmem:s11], [sflag:$0x2] =	stream.indirect.gather [hbm4b:s3+s4], $0x40, s0, s4, $0xb8;
	[tilespmem:$0x15900] =	vst v63  }
0x158: {  	s0 =	sld [smem:$0x7FD]  }
0x159: {  	[tilespmem:s13], [sflag:$0x2] =	stream.indirect.gather [hbm4b:s3+s4], $0x40, s19, s4, $0xb8;
	[tilespmem:$0x15900] =	vst v63  }
0x15a: {  	_ = 	snop  }
0x15b: {  	[tilespmem:s14], [sflag:$0x2] =	stream.indirect.gather [hbm4b:s3+s4], $0x40, s0, s4, $0xb8;
	[tilespmem:$0x15900] =	vst v63  }
0x15c: {  	_ =	swait.ge [sflag:s17], $0xA000  }
0x15d: {  	[sflag:s17] =	ssyncset.done $0x0  }
0x15e: {  	s19 =	rddreg [dreg:$0xb];
	[sflag:s17] =	ssyncadd.s32 $0xFFFF6000  }
0x15f: {  	[hbm4b:s19+s2] =	stream.linear.scatter [tilespmem:s6], [sflag:$0x4], $0xA000, $0x38;
	[tilespmem:$0x15900] =	vst v63  }
0x160: {  	_ =	swait.ge [sflag:s15], $0xA000  }
0x161: {  	[sflag:s15] =	ssyncset.done $0x0  }
0x162: {  	s19 =	simm.s32 $0x1400;
	[sflag:s15] =	ssyncadd.s32 $0xFFFF6000  }
0x163: {  	[tilespmem:s5], [sflag:$0x1] =	stream.indirect.gather [hbm4b:s3+s4], $0x40, s19, s4, $0xb8;
	[tilespmem:$0x15900] =	vst v63  }
0x164: {  	_ = 	snop  }
0x165: {  	[tilespmem:s7], [sflag:$0x1] =	stream.indirect.gather [hbm4b:s3+s4], $0x40, s26, s4, $0xb8;
	[tilespmem:$0x15900] =	vst v63  }
0x166: {  	_ = 	snop  }
0x167: {  	[tilespmem:s8], [sflag:$0x1] =	stream.indirect.gather [hbm4b:s3+s4], $0x40, s28, s4, $0xb8;
	[tilespmem:$0x15900] =	vst v63  }
0x168: {  	_ = 	snop  }
0x169: {  	[tilespmem:s10], [sflag:$0x1] =	stream.indirect.gather [hbm4b:s3+s4], $0x40, s30, s4, $0xb8;
	[tilespmem:$0x15900] =	vst v63  }
0x16a: {  	_ = 	snop  }
0x16b: {  	[tilespmem:s12], [sflag:$0x1] =	stream.indirect.gather [hbm4b:s3+s4], $0x40, s25, s4, $0xb8;
	[tilespmem:$0x15900] =	vst v63  }
0x16c: {  	_ =	swait.ge [sflag:s18], $0xA000  }
0x16d: {  	[sflag:s18] =	ssyncset.done $0x0  }
0x16e: {  	s19 =	rddreg [dreg:$0xc];
	[sflag:s18] =	ssyncadd.s32 $0xFFFF6000  }
0x16f: {  	[hbm4b:s19+s2] =	stream.linear.scatter [tilespmem:s5], [sflag:$0x3], $0xA000, $0x38;
	[tilespmem:$0x15900] =	vst v63  }
0x170: {  	_ =	swait.ge [sflag:s16], $0xA000  }
0x171: {  	[sflag:s16] =	ssyncset.done $0x0  }
0x172: {  	[sflag:s16] =	ssyncadd.s32 $0xFFFF6000  }
0x173: {  	[tilespmem:s6], [sflag:$0x2] =	stream.indirect.gather [hbm4b:s3+s4], $0x40, s20, s4, $0xb8;
	[tilespmem:$0x15900] =	vst v63  }
0x174: {  	_ = 	snop  }
0x175: {  	[tilespmem:s9], [sflag:$0x2] =	stream.indirect.gather [hbm4b:s3+s4], $0x40, s21, s4, $0xb8;
	[tilespmem:$0x15900] =	vst v63  }
0x176: {  	_ = 	snop  }
0x177: {  	[tilespmem:s11], [sflag:$0x2] =	stream.indirect.gather [hbm4b:s3+s4], $0x40, s22, s4, $0xb8;
	[tilespmem:$0x15900] =	vst v63  }
0x178: {  	_ = 	snop  }
0x179: {  	[tilespmem:s13], [sflag:$0x2] =	stream.indirect.gather [hbm4b:s3+s4], $0x40, s23, s4, $0xb8;
	[tilespmem:$0x15900] =	vst v63  }
0x17a: {  	_ = 	snop  }
0x17b: {  	[tilespmem:s14], [sflag:$0x2] =	stream.indirect.gather [hbm4b:s3+s4], $0x40, s24, s4, $0xb8;
	[tilespmem:$0x15900] =	vst v63  }
0x17c: {  	_ =	swait.ge [sflag:s17], $0xA000  }
0x17d: {  	[sflag:s17] =	ssyncset.done $0x0  }
0x17e: {  	p1 =	sne.s32 s1, $0x1;
	s19 =	rddreg [dreg:$0x4];
	[sflag:s17] =	ssyncadd.s32 $0xFFFF6000  }
0x17f: {  	[hbm4b:s19+s2] =	stream.linear.scatter [tilespmem:s6], [sflag:$0x4], $0xA000, $0x38;
	[tilespmem:$0x15900] =	vst v63  }
.Ltmp2:
0x180: {  	_ =	swait.ge [sflag:s15], $0xA000;
	(pc) =	sbr.rel @p1 .LBB2_4-.Ltmp2, $4  }
0x181: {  	[sflag:s15] =	ssyncset.done $0x0  }
0x182: {  	[sflag:s15] =	ssyncadd.s32 $0xFFFF6000  }
0x183: {  	_ =	swait.ge [sflag:s16], $0xA000  }
0x184: {  	s1 =	sadd.s32 $0xFFFFFFFF, s1;
	s0 =	rddreg [dreg:$0x3];
	[sflag:s16] =	ssyncset.done $0x0  }
0x185: {  	s24 =	simm.s32 $0x1600  }
0x186: {  	s30 =	simm.s32 $0x1580;
	s28 =	simm.s32 $0x1500;
	s26 =	simm.s32 $0x1480  }
0x187: {  	s25 =	simm.s32 $0x1400;
	s23 =	simm.s32 $0x1800;
	s22 =	simm.s32 $0x1780  }
0x188: {  	s21 =	simm.s32 $0x1700;
	s20 =	simm.s32 $0x1680;
	s19 =	stileid.u32  }
.LBB2_6:
0x189: {  	[sflag:s16] =	ssyncadd.s32 @p0 $0xFFFF6000  }
0x18a: {  	[tilespmem:s2], [sflag:$0x5] =	stream.linear.gather [hbm4b:s0+s2], $0x1900, $0x38;
	[tilespmem:$0x15900] =	vst v63  }
0x18b: {  	_ =	swait.ge [sflag:s31], $0x1900  }
0x18c: {  	[sflag:s31] =	ssyncset.done $0x0  }
0x18d: {  	[sflag:s31] =	ssyncadd.s32 $0xFFFFE700  }
0x18e: {  	[tilespmem:s5], [sflag:$0x1] =	stream.indirect.gather [hbm4b:s3+s4], $0x40, s2, s4, $0xb8;
	[tilespmem:$0x15900] =	vst v63  }
0x18f: {  	_ = 	snop  }
0x190: {  	[tilespmem:s7], [sflag:$0x1] =	stream.indirect.gather [hbm4b:s3+s4], $0x40, s4, s4, $0xb8;
	[tilespmem:$0x15900] =	vst v63  }
0x191: {  	s31 =	rddreg [dreg:$0xd]  }
0x192: {  	[tilespmem:s8], [sflag:$0x1] =	stream.indirect.gather [hbm4b:s3+s4], $0x40, s31, s4, $0xb8;
	[tilespmem:$0x15900] =	vst v63  }
0x193: {  	s1 =	rddreg [dreg:$0xe]  }
0x194: {  	[tilespmem:s10], [sflag:$0x1] =	stream.indirect.gather [hbm4b:s3+s4], $0x40, s1, s4, $0xb8;
	[tilespmem:$0x15900] =	vst v63  }
0x195: {  	s0 =	rddreg [dreg:$0xf]  }
0x196: {  	[tilespmem:s12], [sflag:$0x1] =	stream.indirect.gather [hbm4b:s3+s4], $0x40, s0, s4, $0xb8;
	[tilespmem:$0x15900] =	vst v63  }
0x197: {  	s31 =	rddreg [dreg:$0x10]  }
0x198: {  	[tilespmem:s6], [sflag:$0x2] =	stream.indirect.gather [hbm4b:s3+s4], $0x40, s31, s4, $0xb8;
	[tilespmem:$0x15900] =	vst v63  }
0x199: {  	s0 =	rddreg [dreg:$0x11]  }
0x19a: {  	[tilespmem:s9], [sflag:$0x2] =	stream.indirect.gather [hbm4b:s3+s4], $0x40, s0, s4, $0xb8;
	[tilespmem:$0x15900] =	vst v63  }
0x19b: {  	s31 =	rddreg [dreg:$0x12]  }
0x19c: {  	[tilespmem:s11], [sflag:$0x2] =	stream.indirect.gather [hbm4b:s3+s4], $0x40, s31, s4, $0xb8;
	[tilespmem:$0x15900] =	vst v63  }
0x19d: {  	s0 =	rddreg [dreg:$0x13]  }
0x19e: {  	[tilespmem:s13], [sflag:$0x2] =	stream.indirect.gather [hbm4b:s3+s4], $0x40, s0, s4, $0xb8;
	[tilespmem:$0x15900] =	vst v63  }
0x19f: {  	s31 =	rddreg [dreg:$0x14]  }
0x1a0: {  	[tilespmem:s14], [sflag:$0x2] =	stream.indirect.gather [hbm4b:s3+s4], $0x40, s31, s4, $0xb8;
	[tilespmem:$0x15900] =	vst v63  }
0x1a1: {  	_ =	swait.ge [sflag:s18], $0xA000  }
0x1a2: {  	[sflag:s18] =	ssyncset.done $0x0  }
0x1a3: {  	[sflag:s18] =	ssyncadd.s32 $0xFFFF6000  }
0x1a4: {  	[hbm4b:s29+s2] =	stream.linear.scatter [tilespmem:s5], [sflag:$0x3], $0xA000, $0x38;
	[tilespmem:$0x15900] =	vst v63  }
0x1a5: {  	_ =	swait.ge [sflag:s17], $0xA000  }
0x1a6: {  	[sflag:s17] =	ssyncset.done $0x0  }
0x1a7: {  	s1 =	rddreg [dreg:$0x5];
	[sflag:s17] =	ssyncadd.s32 $0xFFFF6000  }
0x1a8: {  	[hbm4b:s1+s2] =	stream.linear.scatter [tilespmem:s6], [sflag:$0x4], $0xA000, $0x38;
	[tilespmem:$0x15900] =	vst v63  }
0x1a9: {  	_ =	swait.ge [sflag:s15], $0xA000  }
0x1aa: {  	[sflag:s15] =	ssyncset.done $0x0  }
0x1ab: {  	s29 =	rddreg [dreg:$0x15];
	[sflag:s15] =	ssyncadd.s32 $0xFFFF6000  }
0x1ac: {  	[tilespmem:s5], [sflag:$0x1] =	stream.indirect.gather [hbm4b:s3+s4], $0x40, s29, s4, $0xb8;
	[tilespmem:$0x15900] =	vst v63  }
0x1ad: {  	s31 =	rddreg [dreg:$0x16]  }
0x1ae: {  	[tilespmem:s7], [sflag:$0x1] =	stream.indirect.gather [hbm4b:s3+s4], $0x40, s31, s4, $0xb8;
	[tilespmem:$0x15900] =	vst v63  }
0x1af: {  	s29 =	rddreg [dreg:$0x17]  }
0x1b0: {  	[tilespmem:s8], [sflag:$0x1] =	stream.indirect.gather [hbm4b:s3+s4], $0x40, s29, s4, $0xb8;
	[tilespmem:$0x15900] =	vst v63  }
0x1b1: {  	s31 =	rddreg [dreg:$0x18]  }
0x1b2: {  	[tilespmem:s10], [sflag:$0x1] =	stream.indirect.gather [hbm4b:s3+s4], $0x40, s31, s4, $0xb8;
	[tilespmem:$0x15900] =	vst v63  }
0x1b3: {  	s29 =	rddreg [dreg:$0x19]  }
0x1b4: {  	[tilespmem:s12], [sflag:$0x1] =	stream.indirect.gather [hbm4b:s3+s4], $0x40, s29, s4, $0xb8;
	[tilespmem:$0x15900] =	vst v63  }
0x1b5: {  	_ =	swait.ge [sflag:s18], $0xA000  }
0x1b6: {  	[sflag:s18] =	ssyncset.done $0x0  }
0x1b7: {  	s31 =	rddreg [dreg:$0x6];
	[sflag:s18] =	ssyncadd.s32 $0xFFFF6000  }
0x1b8: {  	[hbm4b:s31+s2] =	stream.linear.scatter [tilespmem:s5], [sflag:$0x3], $0xA000, $0x38;
	[tilespmem:$0x15900] =	vst v63  }
0x1b9: {  	_ =	swait.ge [sflag:s16], $0xA000  }
0x1ba: {  	[sflag:s16] =	ssyncset.done $0x0  }
0x1bb: {  	s1 =	rddreg [dreg:$0x1a];
	[sflag:s16] =	ssyncadd.s32 $0xFFFF6000  }
0x1bc: {  	[tilespmem:s6], [sflag:$0x2] =	stream.indirect.gather [hbm4b:s3+s4], $0x40, s1, s4, $0xb8;
	[tilespmem:$0x15900] =	vst v63  }
0x1bd: {  	s29 =	rddreg [dreg:$0x1b]  }
0x1be: {  	[tilespmem:s9], [sflag:$0x2] =	stream.indirect.gather [hbm4b:s3+s4], $0x40, s29, s4, $0xb8;
	[tilespmem:$0x15900] =	vst v63  }
0x1bf: {  	s31 =	rddreg [dreg:$0x1c]  }
0x1c0: {  	[tilespmem:s11], [sflag:$0x2] =	stream.indirect.gather [hbm4b:s3+s4], $0x40, s31, s4, $0xb8;
	[tilespmem:$0x15900] =	vst v63  }
0x1c1: {  	s29 =	rddreg [dreg:$0x1d]  }
0x1c2: {  	[tilespmem:s13], [sflag:$0x2] =	stream.indirect.gather [hbm4b:s3+s4], $0x40, s29, s4, $0xb8;
	[tilespmem:$0x15900] =	vst v63  }
0x1c3: {  	s31 =	rddreg [dreg:$0x1e]  }
0x1c4: {  	[tilespmem:s14], [sflag:$0x2] =	stream.indirect.gather [hbm4b:s3+s4], $0x40, s31, s4, $0xb8;
	[tilespmem:$0x15900] =	vst v63  }
0x1c5: {  	_ =	swait.ge [sflag:s17], $0xA000  }
0x1c6: {  	[sflag:s17] =	ssyncset.done $0x0  }
0x1c7: {  	s1 =	rddreg [dreg:$0x7];
	[sflag:s17] =	ssyncadd.s32 $0xFFFF6000  }
0x1c8: {  	[hbm4b:s1+s2] =	stream.linear.scatter [tilespmem:s6], [sflag:$0x4], $0xA000, $0x38;
	[tilespmem:$0x15900] =	vst v63  }
0x1c9: {  	_ =	swait.ge [sflag:s15], $0xA000  }
0x1ca: {  	s29 =	rddreg [dreg:$0x1f];
	[sflag:s15] =	ssyncset.done $0x0  }
0x1cb: {  	s31 =	sld [smem:$0x7EB];
	[sflag:s15] =	ssyncadd.s32 $0xFFFF6000  }
0x1cc: {  	[tilespmem:s5], [sflag:$0x1] =	stream.indirect.gather [hbm4b:s3+s4], $0x40, s29, s4, $0xb8;
	[tilespmem:$0x15900] =	vst v63  }
0x1cd: {  	s29 =	sld [smem:$0x7EC]  }
0x1ce: {  	[tilespmem:s7], [sflag:$0x1] =	stream.indirect.gather [hbm4b:s3+s4], $0x40, s31, s4, $0xb8;
	[tilespmem:$0x15900] =	vst v63  }
0x1cf: {  	s31 =	sld [smem:$0x7ED]  }
0x1d0: {  	[tilespmem:s8], [sflag:$0x1] =	stream.indirect.gather [hbm4b:s3+s4], $0x40, s29, s4, $0xb8;
	[tilespmem:$0x15900] =	vst v63  }
0x1d1: {  	s29 =	sld [smem:$0x7EE]  }
0x1d2: {  	[tilespmem:s10], [sflag:$0x1] =	stream.indirect.gather [hbm4b:s3+s4], $0x40, s31, s4, $0xb8;
	[tilespmem:$0x15900] =	vst v63  }
0x1d3: {  	_ = 	snop  }
0x1d4: {  	[tilespmem:s12], [sflag:$0x1] =	stream.indirect.gather [hbm4b:s3+s4], $0x40, s29, s4, $0xb8;
	[tilespmem:$0x15900] =	vst v63  }
0x1d5: {  	_ =	swait.ge [sflag:s18], $0xA000  }
0x1d6: {  	[sflag:s18] =	ssyncset.done $0x0  }
0x1d7: {  	s31 =	rddreg [dreg:$0x8];
	[sflag:s18] =	ssyncadd.s32 $0xFFFF6000  }
0x1d8: {  	[hbm4b:s31+s2] =	stream.linear.scatter [tilespmem:s5], [sflag:$0x3], $0xA000, $0x38;
	[tilespmem:$0x15900] =	vst v63  }
0x1d9: {  	_ =	swait.ge [sflag:s16], $0xA000  }
0x1da: {  	s1 =	sld [smem:$0x7EF]  }
0x1db: {  	[sflag:s16] =	ssyncset.done $0x0  }
0x1dc: {  	s29 =	sld [smem:$0x7F0];
	[sflag:s16] =	ssyncadd.s32 $0xFFFF6000  }
0x1dd: {  	[tilespmem:s6], [sflag:$0x2] =	stream.indirect.gather [hbm4b:s3+s4], $0x40, s1, s4, $0xb8;
	[tilespmem:$0x15900] =	vst v63  }
0x1de: {  	s31 =	sld [smem:$0x7F1]  }
0x1df: {  	[tilespmem:s9], [sflag:$0x2] =	stream.indirect.gather [hbm4b:s3+s4], $0x40, s29, s4, $0xb8;
	[tilespmem:$0x15900] =	vst v63  }
0x1e0: {  	s29 =	sld [smem:$0x7F2]  }
0x1e1: {  	[tilespmem:s11], [sflag:$0x2] =	stream.indirect.gather [hbm4b:s3+s4], $0x40, s31, s4, $0xb8;
	[tilespmem:$0x15900] =	vst v63  }
0x1e2: {  	s31 =	sld [smem:$0x7F3]  }
0x1e3: {  	[tilespmem:s13], [sflag:$0x2] =	stream.indirect.gather [hbm4b:s3+s4], $0x40, s29, s4, $0xb8;
	[tilespmem:$0x15900] =	vst v63  }
0x1e4: {  	_ = 	snop  }
0x1e5: {  	[tilespmem:s14], [sflag:$0x2] =	stream.indirect.gather [hbm4b:s3+s4], $0x40, s31, s4, $0xb8;
	[tilespmem:$0x15900] =	vst v63  }
0x1e6: {  	_ =	swait.ge [sflag:s17], $0xA000  }
0x1e7: {  	[sflag:s17] =	ssyncset.done $0x0  }
0x1e8: {  	s1 =	rddreg [dreg:$0x9];
	[sflag:s17] =	ssyncadd.s32 $0xFFFF6000  }
0x1e9: {  	[hbm4b:s1+s2] =	stream.linear.scatter [tilespmem:s6], [sflag:$0x4], $0xA000, $0x38;
	[tilespmem:$0x15900] =	vst v63  }
0x1ea: {  	_ =	swait.ge [sflag:s15], $0xA000  }
0x1eb: {  	s29 =	sld [smem:$0x7F4]  }
0x1ec: {  	[sflag:s15] =	ssyncset.done $0x0  }
0x1ed: {  	s31 =	sld [smem:$0x7F5];
	[sflag:s15] =	ssyncadd.s32 $0xFFFF6000  }
0x1ee: {  	[tilespmem:s5], [sflag:$0x1] =	stream.indirect.gather [hbm4b:s3+s4], $0x40, s29, s4, $0xb8;
	[tilespmem:$0x15900] =	vst v63  }
0x1ef: {  	s29 =	sld [smem:$0x7F6]  }
0x1f0: {  	[tilespmem:s7], [sflag:$0x1] =	stream.indirect.gather [hbm4b:s3+s4], $0x40, s31, s4, $0xb8;
	[tilespmem:$0x15900] =	vst v63  }
0x1f1: {  	s31 =	sld [smem:$0x7F7]  }
0x1f2: {  	[tilespmem:s8], [sflag:$0x1] =	stream.indirect.gather [hbm4b:s3+s4], $0x40, s29, s4, $0xb8;
	[tilespmem:$0x15900] =	vst v63  }
0x1f3: {  	s29 =	sld [smem:$0x7F8]  }
0x1f4: {  	[tilespmem:s10], [sflag:$0x1] =	stream.indirect.gather [hbm4b:s3+s4], $0x40, s31, s4, $0xb8;
	[tilespmem:$0x15900] =	vst v63  }
0x1f5: {  	_ = 	snop  }
0x1f6: {  	[tilespmem:s12], [sflag:$0x1] =	stream.indirect.gather [hbm4b:s3+s4], $0x40, s29, s4, $0xb8;
	[tilespmem:$0x15900] =	vst v63  }
0x1f7: {  	_ =	swait.ge [sflag:s18], $0xA000  }
0x1f8: {  	[sflag:s18] =	ssyncset.done $0x0  }
0x1f9: {  	s31 =	rddreg [dreg:$0xa];
	[sflag:s18] =	ssyncadd.s32 $0xFFFF6000  }
0x1fa: {  	[hbm4b:s31+s2] =	stream.linear.scatter [tilespmem:s5], [sflag:$0x3], $0xA000, $0x38;
	[tilespmem:$0x15900] =	vst v63  }
0x1fb: {  	_ =	swait.ge [sflag:s16], $0xA000  }
0x1fc: {  	s1 =	sld [smem:$0x7F9]  }
0x1fd: {  	[sflag:s16] =	ssyncset.done $0x0  }
0x1fe: {  	s29 =	sld [smem:$0x7FA];
	[sflag:s16] =	ssyncadd.s32 $0xFFFF6000  }
0x1ff: {  	[tilespmem:s6], [sflag:$0x2] =	stream.indirect.gather [hbm4b:s3+s4], $0x40, s1, s4, $0xb8;
	[tilespmem:$0x15900] =	vst v63  }
0x200: {  	s31 =	sld [smem:$0x7FB]  }
0x201: {  	[tilespmem:s9], [sflag:$0x2] =	stream.indirect.gather [hbm4b:s3+s4], $0x40, s29, s4, $0xb8;
	[tilespmem:$0x15900] =	vst v63  }
0x202: {  	s29 =	sld [smem:$0x7FC]  }
0x203: {  	[tilespmem:s11], [sflag:$0x2] =	stream.indirect.gather [hbm4b:s3+s4], $0x40, s31, s4, $0xb8;
	[tilespmem:$0x15900] =	vst v63  }
0x204: {  	s31 =	sld [smem:$0x7FD]  }
0x205: {  	[tilespmem:s13], [sflag:$0x2] =	stream.indirect.gather [hbm4b:s3+s4], $0x40, s29, s4, $0xb8;
	[tilespmem:$0x15900] =	vst v63  }
0x206: {  	_ = 	snop  }
0x207: {  	[tilespmem:s14], [sflag:$0x2] =	stream.indirect.gather [hbm4b:s3+s4], $0x40, s31, s4, $0xb8;
	[tilespmem:$0x15900] =	vst v63  }
0x208: {  	_ =	swait.ge [sflag:s17], $0xA000  }
0x209: {  	[sflag:s17] =	ssyncset.done $0x0  }
0x20a: {  	s1 =	rddreg [dreg:$0xb];
	[sflag:s17] =	ssyncadd.s32 $0xFFFF6000  }
0x20b: {  	[hbm4b:s1+s2] =	stream.linear.scatter [tilespmem:s6], [sflag:$0x4], $0xA000, $0x38;
	[tilespmem:$0x15900] =	vst v63  }
0x20c: {  	_ =	swait.ge [sflag:s15], $0xA000  }
0x20d: {  	[sflag:s15] =	ssyncset.done $0x0  }
0x20e: {  	[sflag:s15] =	ssyncadd.s32 $0xFFFF6000  }
0x20f: {  	[tilespmem:s5], [sflag:$0x1] =	stream.indirect.gather [hbm4b:s3+s4], $0x40, s25, s4, $0xb8;
	[tilespmem:$0x15900] =	vst v63  }
0x210: {  	_ = 	snop  }
0x211: {  	[tilespmem:s7], [sflag:$0x1] =	stream.indirect.gather [hbm4b:s3+s4], $0x40, s26, s4, $0xb8;
	[tilespmem:$0x15900] =	vst v63  }
0x212: {  	_ = 	snop  }
0x213: {  	[tilespmem:s8], [sflag:$0x1] =	stream.indirect.gather [hbm4b:s3+s4], $0x40, s28, s4, $0xb8;
	[tilespmem:$0x15900] =	vst v63  }
0x214: {  	_ = 	snop  }
0x215: {  	[tilespmem:s10], [sflag:$0x1] =	stream.indirect.gather [hbm4b:s3+s4], $0x40, s30, s4, $0xb8;
	[tilespmem:$0x15900] =	vst v63  }
0x216: {  	_ = 	snop  }
0x217: {  	[tilespmem:s12], [sflag:$0x1] =	stream.indirect.gather [hbm4b:s3+s4], $0x40, s24, s4, $0xb8;
	[tilespmem:$0x15900] =	vst v63  }
0x218: {  	_ =	swait.ge [sflag:s18], $0xA000  }
0x219: {  	[sflag:s18] =	ssyncset.done $0x0  }
0x21a: {  	s29 =	rddreg [dreg:$0xc];
	[sflag:s18] =	ssyncadd.s32 $0xFFFF6000  }
0x21b: {  	[hbm4b:s29+s2] =	stream.linear.scatter [tilespmem:s5], [sflag:$0x3], $0xA000, $0x38;
	[tilespmem:$0x15900] =	vst v63  }
0x21c: {  	_ =	swait.ge [sflag:s16], $0xA000  }
0x21d: {  	[sflag:s16] =	ssyncset.done $0x0  }
0x21e: {  	[sflag:s16] =	ssyncadd.s32 $0xFFFF6000  }
0x21f: {  	[tilespmem:s6], [sflag:$0x2] =	stream.indirect.gather [hbm4b:s3+s4], $0x40, s20, s4, $0xb8;
	[tilespmem:$0x15900] =	vst v63  }
0x220: {  	_ = 	snop  }
0x221: {  	[tilespmem:s9], [sflag:$0x2] =	stream.indirect.gather [hbm4b:s3+s4], $0x40, s21, s4, $0xb8;
	[tilespmem:$0x15900] =	vst v63  }
0x222: {  	_ = 	snop  }
0x223: {  	[tilespmem:s11], [sflag:$0x2] =	stream.indirect.gather [hbm4b:s3+s4], $0x40, s22, s4, $0xb8;
	[tilespmem:$0x15900] =	vst v63  }
0x224: {  	_ = 	snop  }
0x225: {  	[tilespmem:s13], [sflag:$0x2] =	stream.indirect.gather [hbm4b:s3+s4], $0x40, s23, s4, $0xb8;
	[tilespmem:$0x15900] =	vst v63  }
0x226: {  	s30 =	simm.s32 $0x1880  }
0x227: {  	[tilespmem:s14], [sflag:$0x2] =	stream.indirect.gather [hbm4b:s3+s4], $0x40, s30, s4, $0xb8;
	[tilespmem:$0x15900] =	vst v63  }
0x228: {  	_ =	swait.ge [sflag:s17], $0xA000  }
0x229: {  	[sflag:s17] =	ssyncset.done $0x0  }
0x22a: {  	s31 =	rddreg [dreg:$0x4];
	[sflag:s17] =	ssyncadd.s32 $0xFFFF6000  }
0x22b: {  	[hbm4b:s31+s2] =	stream.linear.scatter [tilespmem:s6], [sflag:$0x4], $0xA000, $0x38;
	[tilespmem:$0x15900] =	vst v63  }
0x22c: {  	_ =	swait.ge [sflag:s15], $0xA000  }
0x22d: {  	[sflag:s15] =	ssyncset.done $0x0  }
0x22e: {  	[sflag:s15] =	ssyncadd.s32 $0xFFFF6000  }
0x22f: {  	_ =	swait.ge [sflag:s16], $0xA000  }
0x230: {  	[sflag:s16] =	ssyncset.done $0x0  }
0x231: {  	[sflag:s16] =	ssyncadd.s32 $0xFFFF6000  }
0x232: {  	_ =	sfence.sel $0x180000  }
0x233: {  	[bflag:$0x0] =	sbarrier.arrive $0xFFFF  }
0x234: {  	_ =	strace $0x90000047  }
0x235: {  	[bflag:$0x2] =	sbarrier.arrive $0xFFFF  }
0x236: {  	p0 =	sne.s32 s19, $0x0;
	s0 =	rddreg [dreg:$0x2]  }
0x237: {  	s0 =	sadd.s32 @!p0 $0x100000, s0  }
0x238: {  	[sflag:s0] =	ssyncadd.tile.s32 @!p0 $0x1;
	_ =	shalt  }
.LBB2_1:
.Ltmp3:
0x239: {  	(pc) =	sbr.rel .LBB2_6-.Ltmp3, $4  }
0x23a: {  	_ = 	snop  }
0x23b: {  	s24 =	simm.s32 $0x1600;
	s30 =	simm.s32 $0x1580;
	s28 =	simm.s32 $0x1500  }
0x23c: {  	s26 =	simm.s32 $0x1480;
	s25 =	simm.s32 $0x1400;
	s23 =	simm.s32 $0x1800  }
0x23d: {  	s22 =	simm.s32 $0x1780;
	s21 =	simm.s32 $0x1700;
	s20 =	simm.s32 $0x1680  }
.LBB2_3:
.Ltmp4:
0x23e: {  	(pc) =	sbr.rel .LBB2_6-.Ltmp4, $4  }
0x23f: {  	s24 =	simm.s32 $0x1600  }
0x240: {  	s30 =	simm.s32 $0x1580;
	s28 =	simm.s32 $0x1500;
	s26 =	simm.s32 $0x1480  }
0x241: {  	s25 =	simm.s32 $0x1400;
	s23 =	simm.s32 $0x1800;
	s22 =	simm.s32 $0x1780  }
0x242: {  	s21 =	simm.s32 $0x1700;
	s20 =	simm.s32 $0x1680;
	s19 =	stileid.u32  }
.Lfunc_end2:
_tile_overlayer_lowered:
.L_overlay_start_2:
0x243: {  	(tag) =	ssettag $0x2  }
0x244: {  	s0 =	rddreg [dreg:$0x0];
	s2 =	stileid.u32  }
0x245: {  	s1 =	rddreg [dreg:$0x1];
	p0 =	sne.s32 s2, $0x0  }
0x246: {  	s3 =	rddreg [dreg:$0x2];
	[bflag:$0x3] =	sbarrier.arrive $0xFFFF;
	s2 =	simm.s32 @!p0 $0x1C05  }
0x247: {  	[timem:s3], [sflag:s2] =	dma.local @!p0 [hbm:s0], s1  }
0x248: {  	s0 =	simm.s32 @!p0 $0x5  }
0x249: {  	_ =	swait.ge @!p0 [sflag:s0], s1  }
0x24a: {  	s1 =	ssub.s32 @!p0 $0x0, s1;
	[sflag:s0] =	ssyncset.done @!p0 $0x0  }
0x24b: {  	[sflag:s0] =	ssyncadd.s32 @!p0 s1  }
0x24c: {  	[bflag:$0x3] =	sbarrier.arrive $0xFFFF  }
0x24d: {  	_ =	shalt  }

// kernel: sparse-core-data-format-call.cloned.1.call-start
scs
called_computation_lowered:
.L_overlay_start_0:
0x0: {  	s2 =	sld [smem:$0x3FD9]  }
0x1: {  	s3 =	sld [smem:$0x3FFE];
	_ =	sdelay $0x1  }
0x2: {  	s1 =	srdreg.scid  }
0x3: {  	s0 =	sand.u32 $0x1, s1  }
0x4: {  	s18 =	sshll.u32 s0, $0xA;
	s2 =	sadd.s32 s3, s2  }
0x5: {  	s2 =	sadd.s32 s2, s18  }
0x6: {  	[smem:$0x3FC6] =	sst s2  }
0x7: {  	_ = 	snop  }
0x8: {  	s2 =	sld [smem:$0x3FD0];
	(tm) =	ssettm $0x1  }
0x9: {  	s19 =	sld [smem:$0x3FFB];
	_ =	sdelay $0x3  }
0xa: {  	_ =	strace s19  }
0xb: {  	s3 =	sld [smem:$0x3FFC];
	_ =	sdelay $0x3  }
0xc: {  	_ =	strace s3  }
0xd: {  	s3 =	sld [smem:$0x3FFD];
	_ =	sdelay $0x3  }
0xe: {  	_ =	strace s3  }
0xf: {  	_ =	strace $0x8FFFFFFF  }
0x10: {  	s20 =	sld [smem:$0x3FDB];
	_ =	sdelay $0x1  }
0x11: {  	s4 =	simm.s32 $_scs_section_size  }
0x12: {  	s5 =	simm.s32 $_size__tile_overlayer_lowered;
	s6 =	simm.s32 $_tile_overlayer_lowered  }
0x13: {  	s23 =	simm.s32 $0x1BFF;
	s22 =	sshll.u32 s6, $0x1;
	s3 =	sadd.s32 s4, s20  }
0x14: {  	s7 =	simm.s32 $0x0;
	s21 =	sshll.u32 s5, $0x1;
	s5 =	sadd.s32 s22, s3  }
0x15: {  	[timem:s7], [sflag:s23] =	dma.local [hbm:s5], s21  }
0x16: {  	_ =	swait.ge [sflag:s23], s21  }
0x17: {  	s4 =	ssub.s32 $0x0, s21;
	[sflag:s23] =	ssyncset.done $0x0  }
0x18: {  	[sflag:s23] =	ssyncadd.s32 s4;
	_ =	sdelay $0x1  }
0x19: {  	s24 =	simm.s32 $0x1B8B  }
0x1a: {  	_ =	swait.ge [sflag:s24], $0x1  }
0x1b: {  	[sflag:s24] =	ssyncset.done $0x0  }
0x1c: {  	s26 =	simm.s32 $0x1B8E;
	s25 =	sld [smem:$0x3FFE];
	[sflag:s24] =	ssyncadd.s32 $0xFFFFFFFF  }
0x1d: {  	s27 =	simm.s32 $execute0_lowered;
	[smem:$0x3FD2] =	sst s26  }
0x1e: {  	s5 =	sshll.u32 s27, $0x1;
	_ =	strace $0x80000049;
	[dreg:$0x1] =	wrdreg $0xFFFFFFFF  }
0x1f: {  	s28 =	simm.s32 $_size_execute0_lowered;
	s3 =	sadd.s32 s3, s5;
	[dreg:$0x0] =	wrdreg $0x0  }
0x20: {  	s5 =	sshll.u32 s28, $0x1;
	[dreg:$0x2] =	wrdreg s3  }
0x21: {  	[dreg:$0x3] =	wrdreg s5  }
0x22: {  	[dreg:$0x4] =	wrdreg $0xC0  }
0x23: {  	_ =	task [dreg:s7], $0x5FFFF  }
0x24: {  	[dreg:$0x1] =	wrdreg $0xFFFFFFFF  }
0x25: {  	[dreg:$0x0] =	wrdreg $0x60  }
0x26: {  	[dreg:$0x2] =	wrdreg s25  }
0x27: {  	[dreg:$0x3] =	wrdreg s2  }
0x28: {  	[dreg:$0x4] =	wrdreg $0x9  }
0x29: {  	_ =	task.clear_ibuf [dreg:s7], $0x5FFFF;
	_ =	strace $0x90000049  }
0x2a: {  	s29 =	simm.s32 $0x9;
	_ =	strace $0x8000004B  }
0x2b: {  	_ =	swait.ge [sflag:s29], $0x1  }
0x2c: {  	[sflag:s29] =	ssyncadd.s32 $0xFFFFFFFF  }
0x2d: {  	_ =	strace $0x9000004B  }
0x2e: {  	_ =	sfence  }
0x2f: {  	s30 =	sld [smem:$0x0];
	_ =	sdelay $0x2  }
0x30: {  	s31 =	sshll.u32 s1, $0xD;
	s1 =	sshrl.u32 s1, $0x2  }
0x31: {  	s3 =	sand.u32 $0x4000, s31;
	s1 =	sadd.s32 s1, s30  }
0x32: {  	s0 =	sor.u32 s3, s0;
	s1 =	sshll.u32 s1, $0x11  }
0x33: {  	s0 =	sor.u32 s1, s0  }
0x34: {  	s0 =	sadd.s32 $0x8F2B, s0  }
0x35: {  	[sflag:s0] =	ssyncadd.remote.s32 $0x1  }
0x36: {  	_ =	sfence.sel $0xFFFF  }
0x37: {  	[dreg:$0x0] =	wrdreg $0xFFFFFFFF;
	(pc) =	sbr.abs _section_cstart, $3  }
0x38: {  	[dreg:$0x1] =	wrdreg $0xFFFFFFFF  }
0x39: {  	_ =	task.clear_ibuf [dreg:s7], $0x2FFFF;
	_ =	strace $0x9FFFFFFF  }
0x3a: {  	(tm) =	ssettm $0x7FFFFFFF  }
0x3b: {  	_ =	shalt  }
tec
execute0_lowered:
.L_overlay_start_1:
0x0: {  	(tag) =	ssettag $0x1  }
0x1: {  	s0 =	srdreg.scid  }
0x2: {  	s1 =	sshll.u32 s0, $0x4  }
0x3: {  	s0 =	stileid.u32;
	s1 =	sand.u32 $0x10, s1  }
0x4: {  	s1 =	sor.u32 s0, s1  }
0x5: {  	s6 =	rddreg [dreg:$0x0];
	s4 =	simm.s32 $0x1;
	s2 =	sshll.u32 s1, $0x7  }
0x6: {  	s7 =	simm.s32 $0x2;
	s12 =	simm.s32 $0x0;
	s1 =	ssub.s32 $0x1000, s2  }
0x7: {  	s8 =	simm.s32 $0x8000;
	s13 =	simm.s32 $0x0;
	s3 =	sand.u32 $0xF80, s1  }
0x8: {  	s9 =	simm.s32 $0x0;
	s5 =	sshrl.u32 s1, $0xC;
	p0 =	sne.s32 s3, $0x0  }
.Ltmp0:
0x9: {  	s1 =	rddreg [dreg:$0x2];
	s4 =	simm.s32 @!p0 $0x0;
	(pc) =	sbr.rel .LBB1_1-.Ltmp0, $4  }
0xa: {  	s11 =	simm.s32 $0x0;
	s3 =	rddreg [dreg:$0x1];
	s5 =	sadd.s32 s4, s5  }
0xb: {  	_ =	strace $0x8000004A;
	s4 =	simm.s32 $0x1;
	s5 =	smul.u32 $0x32, s5  }
0xc: {  	s6 =	sadd.s32 $0xA00, s6;
	s10 =	smov.u32 s2;
	[sflag:s4] =	ssyncpa.u1 $0x0  }
0xd: {  	p0 =	por $0x0, $0x0;
	[sflag:s7] =	ssyncpa.u1 $0x0;
	s7 =	sor.u32 $0x1, s5  }
.LBB1_4:
0xe: {  	s16 =	sshll.u32 s13, $0x3;
	s17 =	sand.u32 $0x78, s13  }
0xf: {  	s30 =	sand.u32 $0x7E00, s13;
	s12 =	sshll.u32 s12, $0xF;
	s16 =	sand.u32 $0xC00, s16  }
0x10: {  	[tilespmem:s15+$0x810 ss:$0x81] =	vst.msk $0xffff, v2;
	s31 =	sand.u32 $0x7, s13;
	s16 =	sor.u32 s17, s16;
	s17 =	sadd.s32 s3, s30  }
0x11: {  	[tilespmem:s15+$0x1020 ss:$0x81] =	vst.msk $0xffff, v0;
	s13 =	sshll.u32 s31, $0x12;
	s12 =	sadd.s32 s12, s17;
	s16 =	sshrl.u32 s16, $0x3  }
0x12: {  	[tilespmem:s15+$0x0 ss:$0x81] =	vst.msk $0xffff, v1;
	s13 =	sor.u32 $0x400, s13;
	s12 =	sadd.s32 s16, s12  }
0x13: {  	[hbm4b:s12+s13] =	stream.strided.scatter [tilespmem:s14], [sflag:$0x2], $0x2000, s8, s13, $0x20;
	[tilespmem:$0x8080] =	vst v63  }
.LBB1_5:
0x14: {  	s14 =	sadd.s32 $0x1, s9  }
0x15: {  	s12 =	sadd.s32 $0x1000, s10;
	s16 =	smov.u32 s10;
	p2 =	sgt.s32 s14, $0x31  }
0x16: {  	s16 =	smov.u32 @p2 s12  }
0x17: {  	s14 =	simm.s32 @p2 $0x0;
	p2 =	sgt.s32 s16, $0xFFF  }
0x18: {  	s16 =	smov.u32 @p2 s2;
	p2 =	sne.s32 s11, s7  }
.Ltmp1:
0x19: {  	p1 =	slt.u32 s11, $0x2;
	(pc) =	sbr.rel @!p2 .LBB1_6-.Ltmp1, $4  }
0x1a: {  	s15 =	simm.s32 @!p1 $0x2  }
0x1b: {  	s13 =	smov.u32 s10;
	p0 =	por !p0, !p0;
	_ =	swait.ge @!p1 [sflag:s15], $0x2000  }
0x1c: {  	s12 =	smov.u32 s9;
	[sflag:s15] =	ssyncset.done @!p1 $0x0;
	s9 =	smov.u32 s14  }
0x1d: {  	s11 =	sadd.s32 $0x1, s11;
	[sflag:s15] =	ssyncadd.s32 @!p1 $0xFFFFE000;
	s10 =	smov.u32 s16  }
.LBB1_1:
0x1e: {  	p1 =	sge.u32 s11, s5  }
0x1f: {  	s14 =	sand.u32 @!p1 $0x1FFFFFF, s9  }
0x20: {  	s15 =	smulhi.u32 @!p1 $0x4924925, s14;
	_ =	sdelay $0x1  }
0x21: {  	s15 =	smul.u32 @!p1 $0x38, s15  }
0x22: {  	s16 =	sxor.u32 @!p1 $0xFFFFFFFF, s11;
	s17 =	smul.u32 @!p1 $0x380, s10  }
0x23: {  	s31 =	sadd.s32 $0xFFFFFFFF, s11;
	s16 =	sshll.u32 @!p1 s16, $0xD;
	s14 =	ssub.s32 @!p1 s14, s15  }
0x24: {  	s15 =	sand.u32 @!p1 $0x2000, s16;
	s16 =	sadd.s32 @!p1 s6, s17;
	s14 =	sshll.u32 @!p1 s14, $0x4  }
0x25: {  	s17 =	simm.s32 @!p1 $0x1C00;
	s14 =	sadd.s32 @!p1 s14, s16;
	s16 =	simm.s32 @!p1 $0x40  }
0x26: {  	[tilespmem:s15], [sflag:$0x1] =	stream.strided.gather @!p1 [hbm4b:s14+s16], $0x2000, s17, s16, $0x38;
	[tilespmem:$0x8080] =	vst v63  }
0x27: {  	p1 =	sge.u32 s31, s5  }
.Ltmp2:
0x28: {  	_ = 	snop;
	(pc) =	sbr.rel @p1 .LBB1_5-.Ltmp2, $1  }
0x29: {  	_ =	sdelay $0x3  }
0x2a: {  	s14 =	simm.s32 $0x1  }
0x2b: {  	_ =	swait.ge [sflag:s4], $0x2000;
	s14 =	simm.s32 @!p0 $0x0  }
0x2c: {  	[sflag:s4] =	ssyncset.done $0x0;
	s15 =	sshll.u32 s14, $0xD  }
0x2d: {  	[sflag:s4] =	ssyncadd.s32 $0xFFFFE000;
	s18 =	sor.u32 $0x20, s15  }
0x2e: {  	s14 =	smul.u32 $0x8100, s14;
	v3 =	vld [tilespmem:s18+$0x10]  }
0x2f: {  	s30 =	sand.u32 $0x1, s11;
	v2 =	vld [tilespmem:s18+$0xFFFFFFF0]  }
0x30: {  	s15 =	smul.u32 $0x8100, s30;
	s14 =	sshrl.u32 s14, $0x2;
	v0 =	vld [tilespmem:s18+$0x0]  }
0x31: {  	v1 =	vld [tilespmem:s18+$0xFFFFFFE0];
	s16 =	sor.u32 $0x4000, s14  }
0x32: {  	s31 =	sshrl.u32 s15, $0x2;
	s15 =	sadd.s32 $0x0, s16  }
0x33: {  	s17 =	simm.s32 $0x4;
	s18 =	sadd.s32 $0x40, s18;
	s14 =	sor.u32 $0x4000, s31;
	[tilespmem:s15+$0x1830 ss:$0x81] =	vst.msk $0xffff, v3  }
.LBB1_3:
0x34: {  	v3 =	vld [tilespmem:s18+$0x10];
	p1 =	sne.s32 s17, $0x1FC;
	[tilespmem:s15+$0x810 ss:$0x81] =	vst.msk $0xffff, v2;
	s19 =	smov.u32 s17;
	s17 =	sadd.s32 $0x4, s17  }
.Ltmp3:
0x35: {  	v2 =	vld [tilespmem:s18+$0xFFFFFFF0];
	[tilespmem:s15+$0x1020 ss:$0x81] =	vst.msk $0xffff, v0;
	(pc) =	sbr.rel @p1 .LBB1_3-.Ltmp3, $4  }
0x36: {  	v0 =	vld [tilespmem:s18+$0x0];
	[tilespmem:s15+$0x0 ss:$0x81] =	vst.msk $0xffff, v1  }
0x37: {  	s15 =	sshra.s32 s19, $0x2;
	v1 =	vld [tilespmem:s18+$0xFFFFFFE0]  }
0x38: {  	s15 =	sadd.s32 s15, s16  }
0x39: {  	s18 =	sadd.s32 $0x40, s18;
	[tilespmem:s15+$0x1830 ss:$0x81] =	vst.msk $0xffff, v3  }
.Ltmp4:
0x3a: {  	_ = 	snop;
	(pc) =	sbr.rel .LBB1_4-.Ltmp4, $1  }
0x3b: {  	_ =	sdelay $0x3  }
.LBB1_6:
0x3c: {  	_ =	sfence.sel $0x180000  }
0x3d: {  	s2 =	simm.s32 $0x1;
	[bflag:$0x0] =	sbarrier.arrive $0xFFFF  }
0x3e: {  	s31 =	simm.s32 $0x2;
	[sflag:s2] =	ssyncpa.u1 $0x1  }
0x3f: {  	[sflag:s31] =	ssyncpa.u1 $0x1  }
0x40: {  	p0 =	sne.s32 s0, $0x0;
	_ =	strace $0x9000004A  }
0x41: {  	s0 =	sadd.s32 @!p0 $0x100000, s1;
	[bflag:$0x2] =	sbarrier.arrive $0xFFFF  }
0x42: {  	[sflag:s0] =	ssyncadd.tile.s32 @!p0 $0x1;
	_ =	shalt  }
.Lfunc_end1:
_tile_overlayer_lowered:
.L_overlay_start_2:
0x43: {  	(tag) =	ssettag $0x2  }
0x44: {  	s0 =	rddreg [dreg:$0x0];
	s2 =	stileid.u32  }
0x45: {  	s1 =	rddreg [dreg:$0x1];
	p0 =	sne.s32 s2, $0x0  }
0x46: {  	s3 =	rddreg [dreg:$0x2];
	[bflag:$0x3] =	sbarrier.arrive $0xFFFF;
	s2 =	simm.s32 @!p0 $0x1C01  }
0x47: {  	[timem:s3], [sflag:s2] =	dma.local @!p0 [hbm:s0], s1  }
0x48: {  	s0 =	simm.s32 @!p0 $0x1  }
0x49: {  	_ =	swait.ge @!p0 [sflag:s0], s1  }
0x4a: {  	s1 =	ssub.s32 @!p0 $0x0, s1;
	[sflag:s0] =	ssyncset.done @!p0 $0x0  }
0x4b: {  	[sflag:s0] =	ssyncadd.s32 @!p0 s1  }
0x4c: {  	[bflag:$0x3] =	sbarrier.arrive $0xFFFF  }
0x4d: {  	_ =	shalt  }

</sc_bundles>
